<compile_context>
chip_gen: v7x
topology: tpu7x:2x2x1
jax: 0.10.2.dev20260603
libtpu: 0.0.44.dev20260713+nightly
codegen_flags: <defaults>
</compile_context>

<pallas_src>
import functools

import numpy as _np

import jax
import jax.numpy as jnp
from jax import lax
from jax.experimental import pallas as pl
from jax.experimental.pallas import tpu as pltpu
from jax.experimental.pallas import tpu_sc as plsc


def kernel(atom, edge_index, W, b):
    f32 = jnp.float32
    N, D_IN = atom.shape
    D_OUT = W.shape[0]
    E = edge_index.shape[1]

    NC, NS = 2, 16
    NW = NC * NS
    CHF = 512
    NCH = -(-E // (NW * CHF))
    if NCH % 6:
        NCH += 6 - NCH % 6
    T = NCH * CHF
    E_pad = NW * T

    NT = 128 * (-(-(N + 1) // (NS * 128)))
    NP = NS * NT
    ZR = 128

    NCHD = 16
    CHD = T // NCHD
    assert T % NCHD == 0 and CHD % 16 == 0
    assert NT % ZR == 0

    pad = E_pad - E
    seq = jnp.arange(pad, dtype=jnp.int32)
    dummy_row = seq % N
    dummy_col = N + seq % (NP - N)
    row1 = jnp.concatenate([edge_index[0], dummy_row])
    col1 = jnp.concatenate([edge_index[1], dummy_col])

    mesh = plsc.VectorSubcoreMesh(core_axis_name="c", subcore_axis_name="s",
                                  num_cores=NC, num_subcores=NS)
    sc_params = pltpu.CompilerParams(use_tc_tiling_on_sc=False)

    @functools.partial(
        pl.kernel,
        mesh=mesh,
        out_type=jax.ShapeDtypeStruct((NC * NP,), f32),
        compiler_params=sc_params,
        scratch_types=[
            pltpu.VMEM((CHD,), jnp.int32),
            pltpu.VMEM((CHD,), jnp.int32),
            pltpu.VMEM((CHD,), f32),
            pltpu.VMEM((NT,), f32),
            pltpu.VMEM_SHARED((NP,), f32),
            pltpu.SemaphoreType.DMA,
            pltpu.SemaphoreType.DMA,
        ],
    )
    def deg_kernel(col_hbm, deg_hbm, colva, colvb, onesv, zv, degs,
                   sema, semb):
        c = lax.axis_index("c")
        s = lax.axis_index("s")
        wid = c * NS + s
        ones16 = jnp.full((16,), 1.0, f32)
        zero16 = jnp.zeros((16,), f32)

        def fill_ones(q, carry):
            onesv[pl.ds(q * 16, 16)] = ones16
            return carry

        lax.fori_loop(0, CHD // 16, fill_ones, 0)

        def fill_zero(q, carry):
            zv[pl.ds(q * 16, 16)] = zero16
            return carry

        lax.fori_loop(0, NT // 16, fill_zero, 0)
        pltpu.sync_copy(zv, degs.at[pl.ds(s * NT, NT)])
        plsc.subcore_barrier()

        base = wid * T

        def ld(ci, buf, sem):
            return pltpu.async_copy(
                col_hbm.at[pl.ds(base + ci * CHD, CHD)], buf, sem)

        ld(0, colva, sema)

        def chunk2(i, carry):
            c0 = 2 * i
            pltpu.make_async_copy(col_hbm, colva, sema).wait()

            @pl.when(c0 + 1 < NCHD)
            def _():
                ld(c0 + 1, colvb, semb)

            pltpu.sync_copy(onesv, degs.at[colva], add=True)

            @pl.when(c0 + 2 < NCHD)
            def _():
                ld(c0 + 2, colva, sema)

            @pl.when(c0 + 1 < NCHD)
            def _():
                pltpu.make_async_copy(col_hbm, colvb, semb).wait()
                pltpu.sync_copy(onesv, degs.at[colvb], add=True)

            return carry

        lax.fori_loop(0, NCHD // 2, chunk2, 0)
        plsc.subcore_barrier()
        pltpu.sync_copy(degs.at[pl.ds(s * NT, NT)], zv)
        pltpu.sync_copy(zv, deg_hbm.at[pl.ds(c * NP + s * NT, NT)])

    degp = deg_kernel(col1).reshape(NC * NP // 128, 128)

    GN = NP // 2048
    BR = 2048
    DR = BR // 128

    def lin_body(atom_ref, wt_ref, b_ref, dg0_ref, dg1_ref, y_ref, dinv_ref):
        x = jnp.dot(atom_ref[...], wt_ref[...], preferred_element_type=f32)
        x = x + b_ref[...]
        deg = 1.0 + dg0_ref[...] + dg1_ref[...]
        dinv = lax.rsqrt(deg)
        dinv_ref[...] = dinv
        dinv_t = lax.transpose(dinv, (1, 0))
        pieces = []
        for a in range(DR):
            xa = lax.slice(x, (128 * a, 0), (128 * (a + 1), D_OUT))
            da = lax.slice(dinv_t, (0, a), (128, a + 1))
            pieces.append(xa * da)
        yv = lax.concatenate(pieces, 0)
        y3 = yv.reshape(BR // 8, 8, D_OUT)
        packed = lax.concatenate(
            [lax.squeeze(lax.slice(y3, (0, u, 0), (BR // 8, u + 1, D_OUT)),
                         (1,)) for u in range(8)], 1)
        y_ref[...] = packed

    yp, dinvp = pl.pallas_call(
        lin_body,
        grid=(GN,),
        in_specs=[
            pl.BlockSpec((BR, D_IN), lambda i: (i, 0)),
            pl.BlockSpec((D_IN, D_OUT), lambda i: (0, 0)),
            pl.BlockSpec((1, D_OUT), lambda i: (0, 0)),
            pl.BlockSpec((DR, 128), lambda i: (i, 0)),
            pl.BlockSpec((DR, 128), lambda i: (GN + i, 0)),
        ],
        out_specs=[
            pl.BlockSpec((BR // 8, 128), lambda i: (i, 0)),
            pl.BlockSpec((DR, 128), lambda i: (i, 0)),
        ],
        out_shape=[
            jax.ShapeDtypeStruct((NP // 8, 128), f32),
            jax.ShapeDtypeStruct((NP // 128, 128), f32),
        ],
    )(atom, W.T, b.reshape(1, D_OUT), degp, degp)
    y = yp.reshape(NP, D_OUT)

    @functools.partial(
        pl.kernel,
        mesh=mesh,
        out_type=jax.ShapeDtypeStruct((NC * NP, D_OUT), f32),
        compiler_params=sc_params,
        scratch_types=[
            [pltpu.VMEM((CHF,), jnp.int32) for _ in range(6)],
            [pltpu.VMEM((CHF,), jnp.int32) for _ in range(6)],
            [pltpu.VMEM((CHF, D_OUT), f32) for _ in range(3)],
            pltpu.VMEM_SHARED((NP, D_OUT), f32),
            [pltpu.SemaphoreType.DMA for _ in range(6)],
            [pltpu.SemaphoreType.DMA for _ in range(3)],
            [pltpu.SemaphoreType.DMA for _ in range(3)],
        ],
    )
    def scat_kernel(y_hbm, row_hbm, col_hbm, acc_hbm,
                    rows, cols, msgs, accs, isems, gsem, ssem):
        c = lax.axis_index("c")
        s = lax.axis_index("s")
        wid = c * NS + s
        zero16 = jnp.zeros((D_OUT,), f32)
        WBR = NT // 14

        def fz(q, carry):
            msgs[0][q, :] = zero16
            return carry

        lax.fori_loop(0, WBR, fz, 0)

        def zc(k, carry):
            pltpu.sync_copy(msgs[0].at[pl.ds(0, WBR)],
                            accs.at[pl.ds(s * NT + k * WBR, WBR)])
            return carry

        lax.fori_loop(0, NT // WBR, zc, 0)
        plsc.subcore_barrier()

        base = wid * T

        def start_idx(gi, x):
            pltpu.async_copy(row_hbm.at[pl.ds(base + gi * CHF, CHF)],
                             rows[x], isems[x])
            pltpu.async_copy(col_hbm.at[pl.ds(base + gi * CHF, CHF)],
                             cols[x], isems[x])

        def wait_idx(x):
            pltpu.make_async_copy(row_hbm, rows[x], isems[x]).wait()
            pltpu.make_async_copy(row_hbm, cols[x], isems[x]).wait()

        def start_gather(x, q):
            pltpu.async_copy(y_hbm.at[rows[x]], msgs[q], gsem[q])

        def wait_gather(q):
            pltpu.make_async_copy(y_hbm, msgs[q], gsem[q]).wait()

        def start_scatter(x, q):
            pltpu.async_copy(msgs[q], accs.at[cols[x]], ssem[q], add=True)

        def wait_scatter(x, q):
            pltpu.make_async_copy(msgs[q], accs.at[cols[x]], ssem[q]).wait()

        for g in range(6):
            start_idx(g, g)
        wait_idx(0)
        start_gather(0, 0)

        def hexa(j, carry):
            for k in range(6):
                q = k % 3
                nq = (k + 1) % 3
                xf = (k + 4) % 6

                if k < 2:
                    @pl.when(j > 0)
                    def _():
                        wait_scatter(xf, nq)
                        start_idx(6 * j + k + 4, xf)
                else:
                    wait_scatter(xf, nq)

                    @pl.when(6 * j + k + 4 < NCH)
                    def _():
                        start_idx(6 * j + k + 4, xf)

                if k == 5:
                    @pl.when(j + 1 < NCH // 6)
                    def _():
                        wait_idx(0)
                        start_gather(0, nq)
                else:
                    wait_idx(k + 1)
                    start_gather(k + 1, nq)

                wait_gather(q)
                start_scatter(k, q)
            return carry

        lax.fori_loop(0, NCH // 6, hexa, 0)
        wait_scatter(4, 1)
        wait_scatter(5, 2)
        plsc.subcore_barrier()

        def wb(k, carry):
            pltpu.sync_copy(accs.at[pl.ds(s * NT + k * WBR, WBR)],
                            msgs[0].at[pl.ds(0, WBR)])
            pltpu.sync_copy(msgs[0].at[pl.ds(0, WBR)],
                            acc_hbm.at[pl.ds(c * NP + s * NT + k * WBR, WBR)])
            return carry

        lax.fori_loop(0, NT // WBR, wb, 0)

    acc = scat_kernel(y, row1, col1)
    accp = acc.reshape(NC * NP // 8, 128)

    PB = BR // 8
    NPB = NP // 8 // PB

    sel_np = _np.zeros((8 * 128, D_OUT), _np.float32)
    for u in range(8):
        for j in range(D_OUT):
            sel_np[u * 128 + D_OUT * u + j, j] = 1.0
    sel = jnp.asarray(sel_np)

    def out_body(a0_ref, a1_ref, y_ref, dg0_ref, dg1_ref, sel_ref, o_ref):
        tp = a0_ref[...] + a1_ref[...] + y_ref[...]
        rep = jnp.broadcast_to(tp[:, None, :], (PB, 8, 128)).reshape(BR, 128)
        sub = lax.broadcasted_iota(jnp.int32, (BR, 1), 0) % 8
        sel_all = sel_ref[...]
        t = jnp.zeros((BR, D_OUT), f32)
        for u in range(8):
            su = lax.slice(sel_all, (u * 128, 0), (u * 128 + 128, D_OUT))
            pu = jnp.dot(rep, su, preferred_element_type=f32)
            t = jnp.where(sub == u, pu, t)
        deg = 1.0 + dg0_ref[...] + dg1_ref[...]
        dinv_t = lax.transpose(lax.rsqrt(deg), (1, 0))
        for a in range(DR):
            ta = lax.slice(t, (128 * a, 0), (128 * (a + 1), D_OUT))
            da = lax.slice(dinv_t, (0, a), (128, a + 1))
            o_ref[pl.ds(128 * a, 128), :] = jnp.maximum(ta * da, 0.0)

    out = pl.pallas_call(
        out_body,
        grid=(GN,),
        in_specs=[
            pl.BlockSpec((PB, 128), lambda i: (i, 0)),
            pl.BlockSpec((PB, 128), lambda i: (NPB + i, 0)),
            pl.BlockSpec((PB, 128), lambda i: (i, 0)),
            pl.BlockSpec((DR, 128), lambda i: (i, 0)),
            pl.BlockSpec((DR, 128), lambda i: (GN + i, 0)),
            pl.BlockSpec((8 * 128, D_OUT), lambda i: (0, 0)),
        ],
        out_specs=pl.BlockSpec((BR, D_OUT), lambda i: (i, 0)),
        out_shape=jax.ShapeDtypeStruct((N, D_OUT), f32),
    )(accp, accp, yp, degp, degp, sel)

    return out

# --- scband reference (transcript-rebuilt; emitter-appended) ---
"""Pipeline reference for scband-atom-conv-17532056502701 (READ-ONLY COPY).

The authoritative reference and input builder live on the scoring server;
editing this copy changes nothing except your own understanding.
"""

import jax, jax.numpy as jnp
import numpy as np

N = 100000
E = 3200000
D_IN = 128
D_OUT = 16


def setup_inputs(seed: int = 0) -> dict:
    key = jax.random.key(seed)
    k1, k2, k3, k4 = jax.random.split(key, 4)
    atom = jax.random.normal(k1, (N, D_IN), dtype=jnp.float32)
    edge_index = jax.random.randint(k2, (2, E), 0, N, dtype=jnp.int32)
    # Linear(in=128, out=16) parameters (torch layout: W [out, in], b [out])
    W = jax.random.normal(k3, (D_OUT, D_IN), dtype=jnp.float32) * (1.0 / np.sqrt(D_IN))
    b = jax.random.normal(k4, (D_OUT,), dtype=jnp.float32) * 0.01
    return {"atom": atom, "edge_index": edge_index, "W": W, "b": b}


def reference(atom, edge_index, W, b):
    n = atom.shape[0]
    # add_self_loops
    loops = jnp.arange(n, dtype=edge_index.dtype)
    row = jnp.concatenate([edge_index[0], loops])
    col = jnp.concatenate([edge_index[1], loops])
    # x = self.lin(atom)  (the original code's `x` refers to the node features)
    x = atom @ W.T + b
    # deg = degree(col, n)
    deg = jnp.zeros((n,), dtype=x.dtype).at[col].add(1.0)
    deg_inv_sqrt = deg ** -0.5
    deg_inv_sqrt = jnp.where(jnp.isinf(deg_inv_sqrt), 0.0, deg_inv_sqrt)
    norm = deg_inv_sqrt[row] * deg_inv_sqrt[col]
    # message: norm * x_j  (x_j = x[row], source nodes); aggregate 'add' at target (col)
    msgs = norm[:, None] * x[row]
    out = jnp.zeros((n, x.shape[1]), dtype=x.dtype).at[col].add(msgs)
    # AtomConv: relu
    return jax.nn.relu(out)

if __name__ == "__main__":
    import jax
    _d = setup_inputs()
    print(jax.jit(kernel)(*tuple(_d.values())))

</pallas_src>

<mosaic_0001>
#map = affine_map<(d0, d1) -> (0)>
module attributes {stable_mosaic.version = 14 : i64} {
  func.func @deg_kernel(%arg0: i32, %arg1: i32, %arg2: memref<3244032xi32, #tpu.memory_space<hbm>>, %arg3: memref<200704xf32, #tpu.memory_space<hbm>>, %arg4: memref<6336xi32, #tpu.memory_space<vmem>>, %arg5: memref<6336xi32, #tpu.memory_space<vmem>>, %arg6: memref<6336xf32, #tpu.memory_space<vmem>>, %arg7: memref<6272xf32, #tpu.memory_space<vmem>>, %arg8: memref<100352xf32, #tpu.memory_space<vmem_shared>>, %arg9: memref<!tpu.dma_semaphore, #tpu.memory_space<semaphore_mem>>, %arg10: memref<!tpu.dma_semaphore, #tpu.memory_space<semaphore_mem>>) attributes {dimension_semantics = [#tpu.dimension_semantics<core_parallel>, #tpu.dimension_semantics<subcore_parallel>], iteration_bounds = array<i64: 2, 16>, scalar_prefetch = 0 : i64, scratch_operands = 7 : i64, tpu.core_type = #tpu.core_type<sc_vector_subcore>, window_params = [{transform_indices = #map}, {transform_indices = #map}]} {
    %mul3A = arith.constant 16 : i32
    %mul3A_0 = arith.muli %arg0, %mul3A : i32
    %add3A = arith.addi %mul3A_0, %arg1 : i32
    %broadcast_in_dim3A = arith.constant 1.000000e+00 : f32
    %broadcast_in_dim3A_1 = vector.broadcast %broadcast_in_dim3A : f32 to vector<16xf32>
    %broadcast_in_dim3A_2 = arith.constant 0.000000e+00 : f32
    %broadcast_in_dim3A_3 = vector.broadcast %broadcast_in_dim3A_2 : f32 to vector<16xf32>
    %scan3A = arith.constant 0 : i32
    %scan3A_4 = arith.constant 0 : i32
    %scan3A_5 = arith.constant 396 : i32
    %scan3A_6 = arith.addi %scan3A_4, %scan3A_5 : i32
    %scan3A_7 = arith.constant 1 : i32
    scf.for %scan3A_36 = %scan3A_4 to %scan3A_6 step %scan3A_7  : i32 {
      %mul3A_37 = arith.constant 16 : i32
      %mul3A_38 = arith.muli %scan3A_36, %mul3A_37 : i32
      %swap3A = arith.index_cast %mul3A_38 : i32 to index
      %swap3A_39 = tpu.vector_load %arg6[%swap3A] {strides = array<i32>} : memref<6336xf32, #tpu.memory_space<vmem>>, vector<16xf32>,
      %swap3A_40 = vector.shape_cast %swap3A_39 : vector<16xf32> to vector<16xf32>
      %swap3A_41 = vector.shape_cast %broadcast_in_dim3A_1 : vector<16xf32> to vector<16xf32>
      tpu.vector_store %arg6[%swap3A], %swap3A_41 {strides = array<i32>} : memref<6336xf32, #tpu.memory_space<vmem>>, vector<16xf32>,
    }
    %scan3A_8 = arith.constant 396 : i32
    %scan3A_9 = arith.constant 0 : i32
    %scan3A_10 = arith.constant 0 : i32
    %scan3A_11 = arith.constant 392 : i32
    %scan3A_12 = arith.addi %scan3A_10, %scan3A_11 : i32
    %scan3A_13 = arith.constant 1 : i32
    scf.for %scan3A_36 = %scan3A_10 to %scan3A_12 step %scan3A_13  : i32 {
      %mul3A_37 = arith.constant 16 : i32
      %mul3A_38 = arith.muli %scan3A_36, %mul3A_37 : i32
      %swap3A = arith.index_cast %mul3A_38 : i32 to index
      %swap3A_39 = tpu.vector_load %arg7[%swap3A] {strides = array<i32>} : memref<6272xf32, #tpu.memory_space<vmem>>, vector<16xf32>,
      %swap3A_40 = vector.shape_cast %swap3A_39 : vector<16xf32> to vector<16xf32>
      %swap3A_41 = vector.shape_cast %broadcast_in_dim3A_3 : vector<16xf32> to vector<16xf32>
      tpu.vector_store %arg7[%swap3A], %swap3A_41 {strides = array<i32>} : memref<6272xf32, #tpu.memory_space<vmem>>, vector<16xf32>,
    }
    %scan3A_14 = arith.constant 392 : i32
    %mul3A_15 = arith.constant 6272 : i32
    %mul3A_16 = arith.muli %arg1, %mul3A_15 : i32
    "tpu.region"() ({
      %run_scoped3A = tpu.sem_alloc : memref<!tpu.dma_semaphore, #tpu.memory_space<semaphore_mem>>
      %dma_start3A_36 = tpu.memref_slice %arg8[%mul3A_16] : memref<100352xf32, #tpu.memory_space<vmem_shared>> -> memref<6272xf32, #tpu.memory_space<vmem_shared>>
      %dma_start3A_37 = tpu.memref_slice %arg8[%mul3A_16] : memref<100352xf32, #tpu.memory_space<vmem_shared>> -> memref<6272xf32, #tpu.memory_space<vmem_shared>>
      tpu.enqueue_dma source(%arg7 : memref<6272xf32, #tpu.memory_space<vmem>>) target(%dma_start3A_37 : memref<6272xf32, #tpu.memory_space<vmem_shared>>) target_semaphore(%run_scoped3A : memref<!tpu.dma_semaphore, #tpu.memory_space<semaphore_mem>>)
      %dma_wait3A = tpu.memref_slice %arg8[%mul3A_16] : memref<100352xf32, #tpu.memory_space<vmem_shared>> -> memref<6272xf32, #tpu.memory_space<vmem_shared>>
      %dma_wait3A_38 = tpu.memref_slice %arg8[%mul3A_16] : memref<100352xf32, #tpu.memory_space<vmem_shared>> -> memref<6272xf32, #tpu.memory_space<vmem_shared>>
      tpu.wait_dma2 semaphore(%run_scoped3A : memref<!tpu.dma_semaphore, #tpu.memory_space<semaphore_mem>>) src(%arg7 : memref<6272xf32, #tpu.memory_space<vmem>>) dst(%dma_wait3A_38 : memref<6272xf32, #tpu.memory_space<vmem_shared>>)
      tpu.yield
    }) : () -> ()
    %barrier3A = arith.constant 0 : index
    tpu.barrier barrier_id(%barrier3A)
    %mul3A_17 = arith.constant 101376 : i32
    %mul3A_18 = arith.muli %add3A, %mul3A_17 : i32
    %add3A_19 = arith.constant 0 : i32
    %add3A_20 = arith.addi %mul3A_18, %add3A_19 : i32
    %dma_start3A = tpu.memref_slice %arg2[%add3A_20] : memref<3244032xi32, #tpu.memory_space<hbm>> -> memref<6336xi32, #tpu.memory_space<hbm>>
    %dma_start3A_21 = tpu.memref_slice %arg2[%add3A_20] : memref<3244032xi32, #tpu.memory_space<hbm>> -> memref<6336xi32, #tpu.memory_space<hbm>>
    tpu.enqueue_dma source(%dma_start3A_21 : memref<6336xi32, #tpu.memory_space<hbm>>) target(%arg4 : memref<6336xi32, #tpu.memory_space<vmem>>) target_semaphore(%arg9 : memref<!tpu.dma_semaphore, #tpu.memory_space<semaphore_mem>>)
    %scan3A_22 = arith.constant 0 : i32
    %scan3A_23 = arith.constant 0 : i32
    %scan3A_24 = arith.constant 8 : i32
    %scan3A_25 = arith.addi %scan3A_23, %scan3A_24 : i32
    %scan3A_26 = arith.constant 1 : i32
    scf.for %scan3A_36 = %scan3A_23 to %scan3A_25 step %scan3A_26  : i32 {
      %mul3A_37 = arith.constant 2 : i32
      %mul3A_38 = arith.muli %mul3A_37, %scan3A_36 : i32
      tpu.wait_dma2 semaphore(%arg9 : memref<!tpu.dma_semaphore, #tpu.memory_space<semaphore_mem>>) src(%arg2 : memref<3244032xi32, #tpu.memory_space<hbm>>) dst(%arg4 : memref<6336xi32, #tpu.memory_space<vmem>>)
      %add3A_39 = arith.constant 1 : i32
      %add3A_40 = arith.addi %mul3A_38, %add3A_39 : i32
      %lt3A = arith.constant 16 : i32
      %lt3A_41 = arith.cmpi slt, %add3A_40, %lt3A : i32
      %convert_element_type3A = arith.extui %lt3A_41 : i1 to i32
      %cond3A = arith.constant 0 : i32
      %cond3A_42 = arith.cmpi ne, %convert_element_type3A, %cond3A : i32
      scf.if %cond3A_42 {
        %add3A_57 = arith.constant 1 : i32
        %add3A_58 = arith.addi %mul3A_38, %add3A_57 : i32
        %mul3A_59 = arith.constant 6336 : i32
        %mul3A_60 = arith.muli %add3A_58, %mul3A_59 : i32
        %add3A_61 = arith.addi %mul3A_18, %mul3A_60 : i32
        %dma_start3A_62 = tpu.memref_slice %arg2[%add3A_61] : memref<3244032xi32, #tpu.memory_space<hbm>> -> memref<6336xi32, #tpu.memory_space<hbm>>
        %dma_start3A_63 = tpu.memref_slice %arg2[%add3A_61] : memref<3244032xi32, #tpu.memory_space<hbm>> -> memref<6336xi32, #tpu.memory_space<hbm>>
        tpu.enqueue_dma source(%dma_start3A_63 : memref<6336xi32, #tpu.memory_space<hbm>>) target(%arg5 : memref<6336xi32, #tpu.memory_space<vmem>>) target_semaphore(%arg10 : memref<!tpu.dma_semaphore, #tpu.memory_space<semaphore_mem>>)
      } else {
      }
      "tpu.region"() ({
        %run_scoped3A = tpu.sem_alloc : memref<!tpu.dma_semaphore, #tpu.memory_space<semaphore_mem>>
        %dma_start3A_57 = arith.constant 0 : i32
        %dma_start3A_58 = tpu.memref_slice %arg8[%dma_start3A_57] : memref<100352xf32, #tpu.memory_space<vmem_shared>> -> memref<100352xf32, #tpu.memory_space<vmem_shared>>
        tpu.enqueue_indirect_dma source(%arg6 : memref<6336xf32, #tpu.memory_space<vmem>>) target(%dma_start3A_58 : memref<100352xf32, #tpu.memory_space<vmem_shared>>) offsets(%arg4 : memref<6336xi32, #tpu.memory_space<vmem>>) semaphore(%run_scoped3A : memref<!tpu.dma_semaphore, #tpu.memory_space<semaphore_mem>>) {add = true}
        %dma_wait3A = arith.constant 0 : i32
        %dma_wait3A_59 = tpu.memref_slice %arg8[%dma_wait3A] : memref<100352xf32, #tpu.memory_space<vmem_shared>> -> memref<100352xf32, #tpu.memory_space<vmem_shared>>
        tpu.wait_indirect_dma semaphore(%run_scoped3A : memref<!tpu.dma_semaphore, #tpu.memory_space<semaphore_mem>>) src(%arg6 : memref<6336xf32, #tpu.memory_space<vmem>>) dst(%dma_wait3A_59 : memref<100352xf32, #tpu.memory_space<vmem_shared>>)
        tpu.yield
      }) : () -> ()
      %add3A_43 = arith.constant 2 : i32
      %add3A_44 = arith.addi %mul3A_38, %add3A_43 : i32
      %lt3A_45 = arith.constant 16 : i32
      %lt3A_46 = arith.cmpi slt, %add3A_44, %lt3A_45 : i32
      %convert_element_type3A_47 = arith.extui %lt3A_46 : i1 to i32
      %cond3A_48 = arith.constant 0 : i32
      %cond3A_49 = arith.cmpi ne, %convert_element_type3A_47, %cond3A_48 : i32
      scf.if %cond3A_49 {
        %add3A_57 = arith.constant 2 : i32
        %add3A_58 = arith.addi %mul3A_38, %add3A_57 : i32
        %mul3A_59 = arith.constant 6336 : i32
        %mul3A_60 = arith.muli %add3A_58, %mul3A_59 : i32
        %add3A_61 = arith.addi %mul3A_18, %mul3A_60 : i32
        %dma_start3A_62 = tpu.memref_slice %arg2[%add3A_61] : memref<3244032xi32, #tpu.memory_space<hbm>> -> memref<6336xi32, #tpu.memory_space<hbm>>
        %dma_start3A_63 = tpu.memref_slice %arg2[%add3A_61] : memref<3244032xi32, #tpu.memory_space<hbm>> -> memref<6336xi32, #tpu.memory_space<hbm>>
        tpu.enqueue_dma source(%dma_start3A_63 : memref<6336xi32, #tpu.memory_space<hbm>>) target(%arg4 : memref<6336xi32, #tpu.memory_space<vmem>>) target_semaphore(%arg9 : memref<!tpu.dma_semaphore, #tpu.memory_space<semaphore_mem>>)
      } else {
      }
      %add3A_50 = arith.constant 1 : i32
      %add3A_51 = arith.addi %mul3A_38, %add3A_50 : i32
      %lt3A_52 = arith.constant 16 : i32
      %lt3A_53 = arith.cmpi slt, %add3A_51, %lt3A_52 : i32
      %convert_element_type3A_54 = arith.extui %lt3A_53 : i1 to i32
      %cond3A_55 = arith.constant 0 : i32
      %cond3A_56 = arith.cmpi ne, %convert_element_type3A_54, %cond3A_55 : i32
      scf.if %cond3A_56 {
        tpu.wait_dma2 semaphore(%arg10 : memref<!tpu.dma_semaphore, #tpu.memory_space<semaphore_mem>>) src(%arg2 : memref<3244032xi32, #tpu.memory_space<hbm>>) dst(%arg5 : memref<6336xi32, #tpu.memory_space<vmem>>)
        "tpu.region"() ({
          %run_scoped3A = tpu.sem_alloc : memref<!tpu.dma_semaphore, #tpu.memory_space<semaphore_mem>>
          %dma_start3A_57 = arith.constant 0 : i32
          %dma_start3A_58 = tpu.memref_slice %arg8[%dma_start3A_57] : memref<100352xf32, #tpu.memory_space<vmem_shared>> -> memref<100352xf32, #tpu.memory_space<vmem_shared>>
          tpu.enqueue_indirect_dma source(%arg6 : memref<6336xf32, #tpu.memory_space<vmem>>) target(%dma_start3A_58 : memref<100352xf32, #tpu.memory_space<vmem_shared>>) offsets(%arg5 : memref<6336xi32, #tpu.memory_space<vmem>>) semaphore(%run_scoped3A : memref<!tpu.dma_semaphore, #tpu.memory_space<semaphore_mem>>) {add = true}
          %dma_wait3A = arith.constant 0 : i32
          %dma_wait3A_59 = tpu.memref_slice %arg8[%dma_wait3A] : memref<100352xf32, #tpu.memory_space<vmem_shared>> -> memref<100352xf32, #tpu.memory_space<vmem_shared>>
          tpu.wait_indirect_dma semaphore(%run_scoped3A : memref<!tpu.dma_semaphore, #tpu.memory_space<semaphore_mem>>) src(%arg6 : memref<6336xf32, #tpu.memory_space<vmem>>) dst(%dma_wait3A_59 : memref<100352xf32, #tpu.memory_space<vmem_shared>>)
          tpu.yield
        }) : () -> ()
      } else {
      }
    }
    %scan3A_27 = arith.constant 8 : i32
    %barrier3A_28 = arith.constant 0 : index
    tpu.barrier barrier_id(%barrier3A_28)
    %mul3A_29 = arith.constant 6272 : i32
    %mul3A_30 = arith.muli %arg1, %mul3A_29 : i32
    "tpu.region"() ({
      %run_scoped3A = tpu.sem_alloc : memref<!tpu.dma_semaphore, #tpu.memory_space<semaphore_mem>>
      %dma_start3A_36 = tpu.memref_slice %arg8[%mul3A_30] : memref<100352xf32, #tpu.memory_space<vmem_shared>> -> memref<6272xf32, #tpu.memory_space<vmem_shared>>
      %dma_start3A_37 = tpu.memref_slice %arg8[%mul3A_30] : memref<100352xf32, #tpu.memory_space<vmem_shared>> -> memref<6272xf32, #tpu.memory_space<vmem_shared>>
      tpu.enqueue_dma source(%dma_start3A_37 : memref<6272xf32, #tpu.memory_space<vmem_shared>>) target(%arg7 : memref<6272xf32, #tpu.memory_space<vmem>>) target_semaphore(%run_scoped3A : memref<!tpu.dma_semaphore, #tpu.memory_space<semaphore_mem>>)
      %dma_wait3A = tpu.memref_slice %arg8[%mul3A_30] : memref<100352xf32, #tpu.memory_space<vmem_shared>> -> memref<6272xf32, #tpu.memory_space<vmem_shared>>
      %dma_wait3A_38 = tpu.memref_slice %arg8[%mul3A_30] : memref<100352xf32, #tpu.memory_space<vmem_shared>> -> memref<6272xf32, #tpu.memory_space<vmem_shared>>
      tpu.wait_dma2 semaphore(%run_scoped3A : memref<!tpu.dma_semaphore, #tpu.memory_space<semaphore_mem>>) src(%dma_wait3A_38 : memref<6272xf32, #tpu.memory_space<vmem_shared>>) dst(%arg7 : memref<6272xf32, #tpu.memory_space<vmem>>)
      tpu.yield
    }) : () -> ()
    %mul3A_31 = arith.constant 100352 : i32
    %mul3A_32 = arith.muli %arg0, %mul3A_31 : i32
    %mul3A_33 = arith.constant 6272 : i32
    %mul3A_34 = arith.muli %arg1, %mul3A_33 : i32
    %add3A_35 = arith.addi %mul3A_32, %mul3A_34 : i32
    "tpu.region"() ({
      %run_scoped3A = tpu.sem_alloc : memref<!tpu.dma_semaphore, #tpu.memory_space<semaphore_mem>>
      %dma_start3A_36 = tpu.memref_slice %arg3[%add3A_35] : memref<200704xf32, #tpu.memory_space<hbm>> -> memref<6272xf32, #tpu.memory_space<hbm>>
      %dma_start3A_37 = tpu.memref_slice %arg3[%add3A_35] : memref<200704xf32, #tpu.memory_space<hbm>> -> memref<6272xf32, #tpu.memory_space<hbm>>
      tpu.enqueue_dma source(%arg7 : memref<6272xf32, #tpu.memory_space<vmem>>) target(%dma_start3A_37 : memref<6272xf32, #tpu.memory_space<hbm>>) target_semaphore(%run_scoped3A : memref<!tpu.dma_semaphore, #tpu.memory_space<semaphore_mem>>)
      %dma_wait3A = tpu.memref_slice %arg3[%add3A_35] : memref<200704xf32, #tpu.memory_space<hbm>> -> memref<6272xf32, #tpu.memory_space<hbm>>
      %dma_wait3A_38 = tpu.memref_slice %arg3[%add3A_35] : memref<200704xf32, #tpu.memory_space<hbm>> -> memref<6272xf32, #tpu.memory_space<hbm>>
      tpu.wait_dma2 semaphore(%run_scoped3A : memref<!tpu.dma_semaphore, #tpu.memory_space<semaphore_mem>>) src(%arg7 : memref<6272xf32, #tpu.memory_space<vmem>>) dst(%dma_wait3A_38 : memref<6272xf32, #tpu.memory_space<hbm>>)
      tpu.yield
    }) : () -> ()
    return
  }
}

#map = affine_map<(d0, d1) -> (0, 0)>
#map1 = affine_map<(d0, d1) -> (0)>
module attributes {stable_mosaic.version = 14 : i64} {
  func.func @scat_kernel(%arg0: i32, %arg1: i32, %arg2: memref<100352x16xf32, #tpu.memory_space<hbm>>, %arg3: memref<3244032xi32, #tpu.memory_space<hbm>>, %arg4: memref<3244032xi32, #tpu.memory_space<hbm>>, %arg5: memref<200704x16xf32, #tpu.memory_space<hbm>>, %arg6: memref<512xi32, #tpu.memory_space<vmem>>, %arg7: memref<512xi32, #tpu.memory_space<vmem>>, %arg8: memref<512xi32, #tpu.memory_space<vmem>>, %arg9: memref<512xi32, #tpu.memory_space<vmem>>, %arg10: memref<512xi32, #tpu.memory_space<vmem>>, %arg11: memref<512xi32, #tpu.memory_space<vmem>>, %arg12: memref<512xi32, #tpu.memory_space<vmem>>, %arg13: memref<512xi32, #tpu.memory_space<vmem>>, %arg14: memref<512xi32, #tpu.memory_space<vmem>>, %arg15: memref<512xi32, #tpu.memory_space<vmem>>, %arg16: memref<512xi32, #tpu.memory_space<vmem>>, %arg17: memref<512xi32, #tpu.memory_space<vmem>>, %arg18: memref<512x16xf32, #tpu.memory_space<vmem>>, %arg19: memref<512x16xf32, #tpu.memory_space<vmem>>, %arg20: memref<512x16xf32, #tpu.memory_space<vmem>>, %arg21: memref<100352x16xf32, #tpu.memory_space<vmem_shared>>, %arg22: memref<!tpu.dma_semaphore, #tpu.memory_space<semaphore_mem>>, %arg23: memref<!tpu.dma_semaphore, #tpu.memory_space<semaphore_mem>>, %arg24: memref<!tpu.dma_semaphore, #tpu.memory_space<semaphore_mem>>, %arg25: memref<!tpu.dma_semaphore, #tpu.memory_space<semaphore_mem>>, %arg26: memref<!tpu.dma_semaphore, #tpu.memory_space<semaphore_mem>>, %arg27: memref<!tpu.dma_semaphore, #tpu.memory_space<semaphore_mem>>, %arg28: memref<!tpu.dma_semaphore, #tpu.memory_space<semaphore_mem>>, %arg29: memref<!tpu.dma_semaphore, #tpu.memory_space<semaphore_mem>>, %arg30: memref<!tpu.dma_semaphore, #tpu.memory_space<semaphore_mem>>, %arg31: memref<!tpu.dma_semaphore, #tpu.memory_space<semaphore_mem>>, %arg32: memref<!tpu.dma_semaphore, #tpu.memory_space<semaphore_mem>>, %arg33: memref<!tpu.dma_semaphore, #tpu.memory_space<semaphore_mem>>) attributes {dimension_semantics = [#tpu.dimension_semantics<core_parallel>, #tpu.dimension_semantics<subcore_parallel>], iteration_bounds = array<i64: 2, 16>, scalar_prefetch = 0 : i64, scratch_operands = 28 : i64, tpu.core_type = #tpu.core_type<sc_vector_subcore>, window_params = [{transform_indices = #map}, {transform_indices = #map1}, {transform_indices = #map1}, {transform_indices = #map}]} {
    %mul3A = arith.constant 16 : i32
    %mul3A_0 = arith.muli %arg0, %mul3A : i32
    %add3A = arith.addi %mul3A_0, %arg1 : i32
    %broadcast_in_dim3A = arith.constant 0.000000e+00 : f32
    %broadcast_in_dim3A_1 = vector.broadcast %broadcast_in_dim3A : f32 to vector<16xf32>
    %scan3A = arith.constant 0 : i32
    %scan3A_2 = arith.constant 0 : i32
    %scan3A_3 = arith.constant 448 : i32
    %scan3A_4 = arith.addi %scan3A_2, %scan3A_3 : i32
    %scan3A_5 = arith.constant 1 : i32
    scf.for %scan3A_83 = %scan3A_2 to %scan3A_4 step %scan3A_5  : i32 {
      %swap3A = arith.index_cast %scan3A_83 : i32 to index
      %swap3A_84 = arith.constant 0 : index
      %swap3A_85 = tpu.vector_load %arg18[%swap3A, %swap3A_84] {strides = array<i32>} : memref<512x16xf32, #tpu.memory_space<vmem>>, vector<1x16xf32>,
      %swap3A_86 = vector.shape_cast %swap3A_85 : vector<1x16xf32> to vector<16xf32>
      %swap3A_87 = vector.shape_cast %broadcast_in_dim3A_1 : vector<16xf32> to vector<1x16xf32>
      tpu.vector_store %arg18[%swap3A, %swap3A_84], %swap3A_87 {strides = array<i32>} : memref<512x16xf32, #tpu.memory_space<vmem>>, vector<1x16xf32>,
    }
    %scan3A_6 = arith.constant 448 : i32
    %scan3A_7 = arith.constant 0 : i32
    %scan3A_8 = arith.constant 0 : i32
    %scan3A_9 = arith.constant 14 : i32
    %scan3A_10 = arith.addi %scan3A_8, %scan3A_9 : i32
    %scan3A_11 = arith.constant 1 : i32
    scf.for %scan3A_83 = %scan3A_8 to %scan3A_10 step %scan3A_11  : i32 {
      %mul3A_84 = arith.constant 6272 : i32
      %mul3A_85 = arith.muli %arg1, %mul3A_84 : i32
      %mul3A_86 = arith.constant 448 : i32
      %mul3A_87 = arith.muli %scan3A_83, %mul3A_86 : i32
      %add3A_88 = arith.addi %mul3A_85, %mul3A_87 : i32
      "tpu.region"() ({
        %run_scoped3A = tpu.sem_alloc : memref<!tpu.dma_semaphore, #tpu.memory_space<semaphore_mem>>
        %dma_start3A_89 = arith.constant 0 : i32
        %dma_start3A_90 = arith.constant 0 : i32
        %dma_start3A_91 = tpu.memref_slice %arg18[%dma_start3A_89, %dma_start3A_90] : memref<512x16xf32, #tpu.memory_space<vmem>> -> memref<448x16xf32, #tpu.memory_space<vmem>>
        %dma_start3A_92 = arith.constant 0 : i32
        %dma_start3A_93 = tpu.memref_slice %arg21[%add3A_88, %dma_start3A_92] : memref<100352x16xf32, #tpu.memory_space<vmem_shared>> -> memref<448x16xf32, #tpu.memory_space<vmem_shared>>
        %dma_start3A_94 = arith.constant 0 : i32
        %dma_start3A_95 = tpu.memref_slice %arg21[%add3A_88, %dma_start3A_94] : memref<100352x16xf32, #tpu.memory_space<vmem_shared>> -> memref<448x16xf32, #tpu.memory_space<vmem_shared>>
        %dma_start3A_96 = arith.constant 0 : i32
        %dma_start3A_97 = arith.constant 0 : i32
        %dma_start3A_98 = tpu.memref_slice %arg18[%dma_start3A_96, %dma_start3A_97] : memref<512x16xf32, #tpu.memory_space<vmem>> -> memref<448x16xf32, #tpu.memory_space<vmem>>
        tpu.enqueue_dma source(%dma_start3A_98 : memref<448x16xf32, #tpu.memory_space<vmem>>) target(%dma_start3A_95 : memref<448x16xf32, #tpu.memory_space<vmem_shared>>) target_semaphore(%run_scoped3A : memref<!tpu.dma_semaphore, #tpu.memory_space<semaphore_mem>>)
        %dma_wait3A_99 = arith.constant 0 : i32
        %dma_wait3A_100 = arith.constant 0 : i32
        %dma_wait3A_101 = tpu.memref_slice %arg18[%dma_wait3A_99, %dma_wait3A_100] : memref<512x16xf32, #tpu.memory_space<vmem>> -> memref<448x16xf32, #tpu.memory_space<vmem>>
        %dma_wait3A_102 = arith.constant 0 : i32
        %dma_wait3A_103 = tpu.memref_slice %arg21[%add3A_88, %dma_wait3A_102] : memref<100352x16xf32, #tpu.memory_space<vmem_shared>> -> memref<448x16xf32, #tpu.memory_space<vmem_shared>>
        %dma_wait3A_104 = arith.constant 0 : i32
        %dma_wait3A_105 = tpu.memref_slice %arg21[%add3A_88, %dma_wait3A_104] : memref<100352x16xf32, #tpu.memory_space<vmem_shared>> -> memref<448x16xf32, #tpu.memory_space<vmem_shared>>
        %dma_wait3A_106 = arith.constant 0 : i32
        %dma_wait3A_107 = arith.constant 0 : i32
        %dma_wait3A_108 = tpu.memref_slice %arg18[%dma_wait3A_106, %dma_wait3A_107] : memref<512x16xf32, #tpu.memory_space<vmem>> -> memref<448x16xf32, #tpu.memory_space<vmem>>
        tpu.wait_dma2 semaphore(%run_scoped3A : memref<!tpu.dma_semaphore, #tpu.memory_space<semaphore_mem>>) src(%dma_wait3A_108 : memref<448x16xf32, #tpu.memory_space<vmem>>) dst(%dma_wait3A_105 : memref<448x16xf32, #tpu.memory_space<vmem_shared>>)
        tpu.yield
      }) : () -> ()
    }
    %scan3A_12 = arith.constant 14 : i32
    %barrier3A = arith.constant 0 : index
    tpu.barrier barrier_id(%barrier3A)
    %mul3A_13 = arith.constant 101376 : i32
    %mul3A_14 = arith.muli %add3A, %mul3A_13 : i32
    %add3A_15 = arith.constant 0 : i32
    %add3A_16 = arith.addi %mul3A_14, %add3A_15 : i32
    %dma_start3A = tpu.memref_slice %arg3[%add3A_16] : memref<3244032xi32, #tpu.memory_space<hbm>> -> memref<512xi32, #tpu.memory_space<hbm>>
    %dma_start3A_17 = tpu.memref_slice %arg3[%add3A_16] : memref<3244032xi32, #tpu.memory_space<hbm>> -> memref<512xi32, #tpu.memory_space<hbm>>
    tpu.enqueue_dma source(%dma_start3A_17 : memref<512xi32, #tpu.memory_space<hbm>>) target(%arg6 : memref<512xi32, #tpu.memory_space<vmem>>) target_semaphore(%arg22 : memref<!tpu.dma_semaphore, #tpu.memory_space<semaphore_mem>>)
    %add3A_18 = arith.constant 0 : i32
    %add3A_19 = arith.addi %mul3A_14, %add3A_18 : i32
    %dma_start3A_20 = tpu.memref_slice %arg4[%add3A_19] : memref<3244032xi32, #tpu.memory_space<hbm>> -> memref<512xi32, #tpu.memory_space<hbm>>
    %dma_start3A_21 = tpu.memref_slice %arg4[%add3A_19] : memref<3244032xi32, #tpu.memory_space<hbm>> -> memref<512xi32, #tpu.memory_space<hbm>>
    tpu.enqueue_dma source(%dma_start3A_21 : memref<512xi32, #tpu.memory_space<hbm>>) target(%arg12 : memref<512xi32, #tpu.memory_space<vmem>>) target_semaphore(%arg22 : memref<!tpu.dma_semaphore, #tpu.memory_space<semaphore_mem>>)
    %add3A_22 = arith.constant 512 : i32
    %add3A_23 = arith.addi %mul3A_14, %add3A_22 : i32
    %dma_start3A_24 = tpu.memref_slice %arg3[%add3A_23] : memref<3244032xi32, #tpu.memory_space<hbm>> -> memref<512xi32, #tpu.memory_space<hbm>>
    %dma_start3A_25 = tpu.memref_slice %arg3[%add3A_23] : memref<3244032xi32, #tpu.memory_space<hbm>> -> memref<512xi32, #tpu.memory_space<hbm>>
    tpu.enqueue_dma source(%dma_start3A_25 : memref<512xi32, #tpu.memory_space<hbm>>) target(%arg7 : memref<512xi32, #tpu.memory_space<vmem>>) target_semaphore(%arg23 : memref<!tpu.dma_semaphore, #tpu.memory_space<semaphore_mem>>)
    %add3A_26 = arith.constant 512 : i32
    %add3A_27 = arith.addi %mul3A_14, %add3A_26 : i32
    %dma_start3A_28 = tpu.memref_slice %arg4[%add3A_27] : memref<3244032xi32, #tpu.memory_space<hbm>> -> memref<512xi32, #tpu.memory_space<hbm>>
    %dma_start3A_29 = tpu.memref_slice %arg4[%add3A_27] : memref<3244032xi32, #tpu.memory_space<hbm>> -> memref<512xi32, #tpu.memory_space<hbm>>
    tpu.enqueue_dma source(%dma_start3A_29 : memref<512xi32, #tpu.memory_space<hbm>>) target(%arg13 : memref<512xi32, #tpu.memory_space<vmem>>) target_semaphore(%arg23 : memref<!tpu.dma_semaphore, #tpu.memory_space<semaphore_mem>>)
    %add3A_30 = arith.constant 1024 : i32
    %add3A_31 = arith.addi %mul3A_14, %add3A_30 : i32
    %dma_start3A_32 = tpu.memref_slice %arg3[%add3A_31] : memref<3244032xi32, #tpu.memory_space<hbm>> -> memref<512xi32, #tpu.memory_space<hbm>>
    %dma_start3A_33 = tpu.memref_slice %arg3[%add3A_31] : memref<3244032xi32, #tpu.memory_space<hbm>> -> memref<512xi32, #tpu.memory_space<hbm>>
    tpu.enqueue_dma source(%dma_start3A_33 : memref<512xi32, #tpu.memory_space<hbm>>) target(%arg8 : memref<512xi32, #tpu.memory_space<vmem>>) target_semaphore(%arg24 : memref<!tpu.dma_semaphore, #tpu.memory_space<semaphore_mem>>)
    %add3A_34 = arith.constant 1024 : i32
    %add3A_35 = arith.addi %mul3A_14, %add3A_34 : i32
    %dma_start3A_36 = tpu.memref_slice %arg4[%add3A_35] : memref<3244032xi32, #tpu.memory_space<hbm>> -> memref<512xi32, #tpu.memory_space<hbm>>
    %dma_start3A_37 = tpu.memref_slice %arg4[%add3A_35] : memref<3244032xi32, #tpu.memory_space<hbm>> -> memref<512xi32, #tpu.memory_space<hbm>>
    tpu.enqueue_dma source(%dma_start3A_37 : memref<512xi32, #tpu.memory_space<hbm>>) target(%arg14 : memref<512xi32, #tpu.memory_space<vmem>>) target_semaphore(%arg24 : memref<!tpu.dma_semaphore, #tpu.memory_space<semaphore_mem>>)
    %add3A_38 = arith.constant 1536 : i32
    %add3A_39 = arith.addi %mul3A_14, %add3A_38 : i32
    %dma_start3A_40 = tpu.memref_slice %arg3[%add3A_39] : memref<3244032xi32, #tpu.memory_space<hbm>> -> memref<512xi32, #tpu.memory_space<hbm>>
    %dma_start3A_41 = tpu.memref_slice %arg3[%add3A_39] : memref<3244032xi32, #tpu.memory_space<hbm>> -> memref<512xi32, #tpu.memory_space<hbm>>
    tpu.enqueue_dma source(%dma_start3A_41 : memref<512xi32, #tpu.memory_space<hbm>>) target(%arg9 : memref<512xi32, #tpu.memory_space<vmem>>) target_semaphore(%arg25 : memref<!tpu.dma_semaphore, #tpu.memory_space<semaphore_mem>>)
    %add3A_42 = arith.constant 1536 : i32
    %add3A_43 = arith.addi %mul3A_14, %add3A_42 : i32
    %dma_start3A_44 = tpu.memref_slice %arg4[%add3A_43] : memref<3244032xi32, #tpu.memory_space<hbm>> -> memref<512xi32, #tpu.memory_space<hbm>>
    %dma_start3A_45 = tpu.memref_slice %arg4[%add3A_43] : memref<3244032xi32, #tpu.memory_space<hbm>> -> memref<512xi32, #tpu.memory_space<hbm>>
    tpu.enqueue_dma source(%dma_start3A_45 : memref<512xi32, #tpu.memory_space<hbm>>) target(%arg15 : memref<512xi32, #tpu.memory_space<vmem>>) target_semaphore(%arg25 : memref<!tpu.dma_semaphore, #tpu.memory_space<semaphore_mem>>)
    %add3A_46 = arith.constant 2048 : i32
    %add3A_47 = arith.addi %mul3A_14, %add3A_46 : i32
    %dma_start3A_48 = tpu.memref_slice %arg3[%add3A_47] : memref<3244032xi32, #tpu.memory_space<hbm>> -> memref<512xi32, #tpu.memory_space<hbm>>
    %dma_start3A_49 = tpu.memref_slice %arg3[%add3A_47] : memref<3244032xi32, #tpu.memory_space<hbm>> -> memref<512xi32, #tpu.memory_space<hbm>>
    tpu.enqueue_dma source(%dma_start3A_49 : memref<512xi32, #tpu.memory_space<hbm>>) target(%arg10 : memref<512xi32, #tpu.memory_space<vmem>>) target_semaphore(%arg26 : memref<!tpu.dma_semaphore, #tpu.memory_space<semaphore_mem>>)
    %add3A_50 = arith.constant 2048 : i32
    %add3A_51 = arith.addi %mul3A_14, %add3A_50 : i32
    %dma_start3A_52 = tpu.memref_slice %arg4[%add3A_51] : memref<3244032xi32, #tpu.memory_space<hbm>> -> memref<512xi32, #tpu.memory_space<hbm>>
    %dma_start3A_53 = tpu.memref_slice %arg4[%add3A_51] : memref<3244032xi32, #tpu.memory_space<hbm>> -> memref<512xi32, #tpu.memory_space<hbm>>
    tpu.enqueue_dma source(%dma_start3A_53 : memref<512xi32, #tpu.memory_space<hbm>>) target(%arg16 : memref<512xi32, #tpu.memory_space<vmem>>) target_semaphore(%arg26 : memref<!tpu.dma_semaphore, #tpu.memory_space<semaphore_mem>>)
    %add3A_54 = arith.constant 2560 : i32
    %add3A_55 = arith.addi %mul3A_14, %add3A_54 : i32
    %dma_start3A_56 = tpu.memref_slice %arg3[%add3A_55] : memref<3244032xi32, #tpu.memory_space<hbm>> -> memref<512xi32, #tpu.memory_space<hbm>>
    %dma_start3A_57 = tpu.memref_slice %arg3[%add3A_55] : memref<3244032xi32, #tpu.memory_space<hbm>> -> memref<512xi32, #tpu.memory_space<hbm>>
    tpu.enqueue_dma source(%dma_start3A_57 : memref<512xi32, #tpu.memory_space<hbm>>) target(%arg11 : memref<512xi32, #tpu.memory_space<vmem>>) target_semaphore(%arg27 : memref<!tpu.dma_semaphore, #tpu.memory_space<semaphore_mem>>)
    %add3A_58 = arith.constant 2560 : i32
    %add3A_59 = arith.addi %mul3A_14, %add3A_58 : i32
    %dma_start3A_60 = tpu.memref_slice %arg4[%add3A_59] : memref<3244032xi32, #tpu.memory_space<hbm>> -> memref<512xi32, #tpu.memory_space<hbm>>
    %dma_start3A_61 = tpu.memref_slice %arg4[%add3A_59] : memref<3244032xi32, #tpu.memory_space<hbm>> -> memref<512xi32, #tpu.memory_space<hbm>>
    tpu.enqueue_dma source(%dma_start3A_61 : memref<512xi32, #tpu.memory_space<hbm>>) target(%arg17 : memref<512xi32, #tpu.memory_space<vmem>>) target_semaphore(%arg27 : memref<!tpu.dma_semaphore, #tpu.memory_space<semaphore_mem>>)
    tpu.wait_dma2 semaphore(%arg22 : memref<!tpu.dma_semaphore, #tpu.memory_space<semaphore_mem>>) src(%arg3 : memref<3244032xi32, #tpu.memory_space<hbm>>) dst(%arg6 : memref<512xi32, #tpu.memory_space<vmem>>)
    tpu.wait_dma2 semaphore(%arg22 : memref<!tpu.dma_semaphore, #tpu.memory_space<semaphore_mem>>) src(%arg3 : memref<3244032xi32, #tpu.memory_space<hbm>>) dst(%arg12 : memref<512xi32, #tpu.memory_space<vmem>>)
    %dma_start3A_62 = arith.constant 0 : i32
    %dma_start3A_63 = arith.constant 0 : i32
    %dma_start3A_64 = tpu.memref_slice %arg2[%dma_start3A_62, %dma_start3A_63] : memref<100352x16xf32, #tpu.memory_space<hbm>> -> memref<100352x16xf32, #tpu.memory_space<hbm>>
    tpu.enqueue_indirect_dma source(%dma_start3A_64 : memref<100352x16xf32, #tpu.memory_space<hbm>>) target(%arg18 : memref<512x16xf32, #tpu.memory_space<vmem>>) offsets(%arg6 : memref<512xi32, #tpu.memory_space<vmem>>) semaphore(%arg28 : memref<!tpu.dma_semaphore, #tpu.memory_space<semaphore_mem>>)
    %scan3A_65 = arith.constant 0 : i32
    %scan3A_66 = arith.constant 0 : i32
    %scan3A_67 = arith.constant 33 : i32
    %scan3A_68 = arith.addi %scan3A_66, %scan3A_67 : i32
    %scan3A_69 = arith.constant 1 : i32
    scf.for %scan3A_83 = %scan3A_66 to %scan3A_68 step %scan3A_69  : i32 {
      %gt3A = arith.constant 0 : i32
      %gt3A_84 = arith.cmpi sgt, %scan3A_83, %gt3A : i32
      %convert_element_type3A = arith.extui %gt3A_84 : i1 to i32
      %cond3A = arith.constant 0 : i32
      %cond3A_85 = arith.cmpi ne, %convert_element_type3A, %cond3A : i32
      scf.if %cond3A_85 {
        %dma_wait3A_186 = arith.constant 0 : i32
        %dma_wait3A_187 = arith.constant 0 : i32
        %dma_wait3A_188 = tpu.memref_slice %arg21[%dma_wait3A_186, %dma_wait3A_187] : memref<100352x16xf32, #tpu.memory_space<vmem_shared>> -> memref<100352x16xf32, #tpu.memory_space<vmem_shared>>
        tpu.wait_indirect_dma semaphore(%arg32 : memref<!tpu.dma_semaphore, #tpu.memory_space<semaphore_mem>>) src(%arg19 : memref<512x16xf32, #tpu.memory_space<vmem>>) dst(%dma_wait3A_188 : memref<100352x16xf32, #tpu.memory_space<vmem_shared>>)
        %mul3A_189 = arith.constant 6 : i32
        %mul3A_190 = arith.muli %mul3A_189, %scan3A_83 : i32
        %add3A_191 = arith.constant 0 : i32
        %add3A_192 = arith.addi %mul3A_190, %add3A_191 : i32
        %add3A_193 = arith.constant 4 : i32
        %add3A_194 = arith.addi %add3A_192, %add3A_193 : i32
        %mul3A_195 = arith.constant 512 : i32
        %mul3A_196 = arith.muli %add3A_194, %mul3A_195 : i32
        %add3A_197 = arith.addi %mul3A_14, %mul3A_196 : i32
        %dma_start3A_198 = tpu.memref_slice %arg3[%add3A_197] : memref<3244032xi32, #tpu.memory_space<hbm>> -> memref<512xi32, #tpu.memory_space<hbm>>
        %dma_start3A_199 = tpu.memref_slice %arg3[%add3A_197] : memref<3244032xi32, #tpu.memory_space<hbm>> -> memref<512xi32, #tpu.memory_space<hbm>>
        tpu.enqueue_dma source(%dma_start3A_199 : memref<512xi32, #tpu.memory_space<hbm>>) target(%arg10 : memref<512xi32, #tpu.memory_space<vmem>>) target_semaphore(%arg26 : memref<!tpu.dma_semaphore, #tpu.memory_space<semaphore_mem>>)
        %mul3A_200 = arith.constant 512 : i32
        %mul3A_201 = arith.muli %add3A_194, %mul3A_200 : i32
        %add3A_202 = arith.addi %mul3A_14, %mul3A_201 : i32
        %dma_start3A_203 = tpu.memref_slice %arg4[%add3A_202] : memref<3244032xi32, #tpu.memory_space<hbm>> -> memref<512xi32, #tpu.memory_space<hbm>>
        %dma_start3A_204 = tpu.memref_slice %arg4[%add3A_202] : memref<3244032xi32, #tpu.memory_space<hbm>> -> memref<512xi32, #tpu.memory_space<hbm>>
        tpu.enqueue_dma source(%dma_start3A_204 : memref<512xi32, #tpu.memory_space<hbm>>) target(%arg16 : memref<512xi32, #tpu.memory_space<vmem>>) target_semaphore(%arg26 : memref<!tpu.dma_semaphore, #tpu.memory_space<semaphore_mem>>)
      } else {
      }
      tpu.wait_dma2 semaphore(%arg23 : memref<!tpu.dma_semaphore, #tpu.memory_space<semaphore_mem>>) src(%arg3 : memref<3244032xi32, #tpu.memory_space<hbm>>) dst(%arg7 : memref<512xi32, #tpu.memory_space<vmem>>)
      tpu.wait_dma2 semaphore(%arg23 : memref<!tpu.dma_semaphore, #tpu.memory_space<semaphore_mem>>) src(%arg3 : memref<3244032xi32, #tpu.memory_space<hbm>>) dst(%arg13 : memref<512xi32, #tpu.memory_space<vmem>>)
      %dma_start3A_86 = arith.constant 0 : i32
      %dma_start3A_87 = arith.constant 0 : i32
      %dma_start3A_88 = tpu.memref_slice %arg2[%dma_start3A_86, %dma_start3A_87] : memref<100352x16xf32, #tpu.memory_space<hbm>> -> memref<100352x16xf32, #tpu.memory_space<hbm>>
      tpu.enqueue_indirect_dma source(%dma_start3A_88 : memref<100352x16xf32, #tpu.memory_space<hbm>>) target(%arg19 : memref<512x16xf32, #tpu.memory_space<vmem>>) offsets(%arg7 : memref<512xi32, #tpu.memory_space<vmem>>) semaphore(%arg29 : memref<!tpu.dma_semaphore, #tpu.memory_space<semaphore_mem>>)
      tpu.wait_dma2 semaphore(%arg28 : memref<!tpu.dma_semaphore, #tpu.memory_space<semaphore_mem>>) src(%arg2 : memref<100352x16xf32, #tpu.memory_space<hbm>>) dst(%arg18 : memref<512x16xf32, #tpu.memory_space<vmem>>)
      %dma_start3A_89 = arith.constant 0 : i32
      %dma_start3A_90 = arith.constant 0 : i32
      %dma_start3A_91 = tpu.memref_slice %arg21[%dma_start3A_89, %dma_start3A_90] : memref<100352x16xf32, #tpu.memory_space<vmem_shared>> -> memref<100352x16xf32, #tpu.memory_space<vmem_shared>>
      tpu.enqueue_indirect_dma source(%arg18 : memref<512x16xf32, #tpu.memory_space<vmem>>) target(%dma_start3A_91 : memref<100352x16xf32, #tpu.memory_space<vmem_shared>>) offsets(%arg12 : memref<512xi32, #tpu.memory_space<vmem>>) semaphore(%arg31 : memref<!tpu.dma_semaphore, #tpu.memory_space<semaphore_mem>>) {add = true}
      %gt3A_92 = arith.constant 0 : i32
      %gt3A_93 = arith.cmpi sgt, %scan3A_83, %gt3A_92 : i32
      %convert_element_type3A_94 = arith.extui %gt3A_93 : i1 to i32
      %cond3A_95 = arith.constant 0 : i32
      %cond3A_96 = arith.cmpi ne, %convert_element_type3A_94, %cond3A_95 : i32
      scf.if %cond3A_96 {
        %dma_wait3A_186 = arith.constant 0 : i32
        %dma_wait3A_187 = arith.constant 0 : i32
        %dma_wait3A_188 = tpu.memref_slice %arg21[%dma_wait3A_186, %dma_wait3A_187] : memref<100352x16xf32, #tpu.memory_space<vmem_shared>> -> memref<100352x16xf32, #tpu.memory_space<vmem_shared>>
        tpu.wait_indirect_dma semaphore(%arg33 : memref<!tpu.dma_semaphore, #tpu.memory_space<semaphore_mem>>) src(%arg20 : memref<512x16xf32, #tpu.memory_space<vmem>>) dst(%dma_wait3A_188 : memref<100352x16xf32, #tpu.memory_space<vmem_shared>>)
        %mul3A_189 = arith.constant 6 : i32
        %mul3A_190 = arith.muli %mul3A_189, %scan3A_83 : i32
        %add3A_191 = arith.constant 1 : i32
        %add3A_192 = arith.addi %mul3A_190, %add3A_191 : i32
        %add3A_193 = arith.constant 4 : i32
        %add3A_194 = arith.addi %add3A_192, %add3A_193 : i32
        %mul3A_195 = arith.constant 512 : i32
        %mul3A_196 = arith.muli %add3A_194, %mul3A_195 : i32
        %add3A_197 = arith.addi %mul3A_14, %mul3A_196 : i32
        %dma_start3A_198 = tpu.memref_slice %arg3[%add3A_197] : memref<3244032xi32, #tpu.memory_space<hbm>> -> memref<512xi32, #tpu.memory_space<hbm>>
        %dma_start3A_199 = tpu.memref_slice %arg3[%add3A_197] : memref<3244032xi32, #tpu.memory_space<hbm>> -> memref<512xi32, #tpu.memory_space<hbm>>
        tpu.enqueue_dma source(%dma_start3A_199 : memref<512xi32, #tpu.memory_space<hbm>>) target(%arg11 : memref<512xi32, #tpu.memory_space<vmem>>) target_semaphore(%arg27 : memref<!tpu.dma_semaphore, #tpu.memory_space<semaphore_mem>>)
        %mul3A_200 = arith.constant 512 : i32
        %mul3A_201 = arith.muli %add3A_194, %mul3A_200 : i32
        %add3A_202 = arith.addi %mul3A_14, %mul3A_201 : i32
        %dma_start3A_203 = tpu.memref_slice %arg4[%add3A_202] : memref<3244032xi32, #tpu.memory_space<hbm>> -> memref<512xi32, #tpu.memory_space<hbm>>
        %dma_start3A_204 = tpu.memref_slice %arg4[%add3A_202] : memref<3244032xi32, #tpu.memory_space<hbm>> -> memref<512xi32, #tpu.memory_space<hbm>>
        tpu.enqueue_dma source(%dma_start3A_204 : memref<512xi32, #tpu.memory_space<hbm>>) target(%arg17 : memref<512xi32, #tpu.memory_space<vmem>>) target_semaphore(%arg27 : memref<!tpu.dma_semaphore, #tpu.memory_space<semaphore_mem>>)
      } else {
      }
      tpu.wait_dma2 semaphore(%arg24 : memref<!tpu.dma_semaphore, #tpu.memory_space<semaphore_mem>>) src(%arg3 : memref<3244032xi32, #tpu.memory_space<hbm>>) dst(%arg8 : memref<512xi32, #tpu.memory_space<vmem>>)
      tpu.wait_dma2 semaphore(%arg24 : memref<!tpu.dma_semaphore, #tpu.memory_space<semaphore_mem>>) src(%arg3 : memref<3244032xi32, #tpu.memory_space<hbm>>) dst(%arg14 : memref<512xi32, #tpu.memory_space<vmem>>)
      %dma_start3A_97 = arith.constant 0 : i32
      %dma_start3A_98 = arith.constant 0 : i32
      %dma_start3A_99 = tpu.memref_slice %arg2[%dma_start3A_97, %dma_start3A_98] : memref<100352x16xf32, #tpu.memory_space<hbm>> -> memref<100352x16xf32, #tpu.memory_space<hbm>>
      tpu.enqueue_indirect_dma source(%dma_start3A_99 : memref<100352x16xf32, #tpu.memory_space<hbm>>) target(%arg20 : memref<512x16xf32, #tpu.memory_space<vmem>>) offsets(%arg8 : memref<512xi32, #tpu.memory_space<vmem>>) semaphore(%arg30 : memref<!tpu.dma_semaphore, #tpu.memory_space<semaphore_mem>>)
      tpu.wait_dma2 semaphore(%arg29 : memref<!tpu.dma_semaphore, #tpu.memory_space<semaphore_mem>>) src(%arg2 : memref<100352x16xf32, #tpu.memory_space<hbm>>) dst(%arg19 : memref<512x16xf32, #tpu.memory_space<vmem>>)
      %dma_start3A_100 = arith.constant 0 : i32
      %dma_start3A_101 = arith.constant 0 : i32
      %dma_start3A_102 = tpu.memref_slice %arg21[%dma_start3A_100, %dma_start3A_101] : memref<100352x16xf32, #tpu.memory_space<vmem_shared>> -> memref<100352x16xf32, #tpu.memory_space<vmem_shared>>
      tpu.enqueue_indirect_dma source(%arg19 : memref<512x16xf32, #tpu.memory_space<vmem>>) target(%dma_start3A_102 : memref<100352x16xf32, #tpu.memory_space<vmem_shared>>) offsets(%arg13 : memref<512xi32, #tpu.memory_space<vmem>>) semaphore(%arg32 : memref<!tpu.dma_semaphore, #tpu.memory_space<semaphore_mem>>) {add = true}
      %dma_wait3A_103 = arith.constant 0 : i32
      %dma_wait3A_104 = arith.constant 0 : i32
      %dma_wait3A_105 = tpu.memref_slice %arg21[%dma_wait3A_103, %dma_wait3A_104] : memref<100352x16xf32, #tpu.memory_space<vmem_shared>> -> memref<100352x16xf32, #tpu.memory_space<vmem_shared>>
      tpu.wait_indirect_dma semaphore(%arg31 : memref<!tpu.dma_semaphore, #tpu.memory_space<semaphore_mem>>) src(%arg18 : memref<512x16xf32, #tpu.memory_space<vmem>>) dst(%dma_wait3A_105 : memref<100352x16xf32, #tpu.memory_space<vmem_shared>>)
      %mul3A_106 = arith.constant 6 : i32
      %mul3A_107 = arith.muli %mul3A_106, %scan3A_83 : i32
      %add3A_108 = arith.constant 2 : i32
      %add3A_109 = arith.addi %mul3A_107, %add3A_108 : i32
      %add3A_110 = arith.constant 4 : i32
      %add3A_111 = arith.addi %add3A_109, %add3A_110 : i32
      %lt3A = arith.constant 198 : i32
      %lt3A_112 = arith.cmpi slt, %add3A_111, %lt3A : i32
      %convert_element_type3A_113 = arith.extui %lt3A_112 : i1 to i32
      %cond3A_114 = arith.constant 0 : i32
      %cond3A_115 = arith.cmpi ne, %convert_element_type3A_113, %cond3A_114 : i32
      scf.if %cond3A_115 {
        %mul3A_186 = arith.constant 6 : i32
        %mul3A_187 = arith.muli %mul3A_186, %scan3A_83 : i32
        %add3A_188 = arith.constant 2 : i32
        %add3A_189 = arith.addi %mul3A_187, %add3A_188 : i32
        %add3A_190 = arith.constant 4 : i32
        %add3A_191 = arith.addi %add3A_189, %add3A_190 : i32
        %mul3A_192 = arith.constant 512 : i32
        %mul3A_193 = arith.muli %add3A_191, %mul3A_192 : i32
        %add3A_194 = arith.addi %mul3A_14, %mul3A_193 : i32
        %dma_start3A_195 = tpu.memref_slice %arg3[%add3A_194] : memref<3244032xi32, #tpu.memory_space<hbm>> -> memref<512xi32, #tpu.memory_space<hbm>>
        %dma_start3A_196 = tpu.memref_slice %arg3[%add3A_194] : memref<3244032xi32, #tpu.memory_space<hbm>> -> memref<512xi32, #tpu.memory_space<hbm>>
        tpu.enqueue_dma source(%dma_start3A_196 : memref<512xi32, #tpu.memory_space<hbm>>) target(%arg6 : memref<512xi32, #tpu.memory_space<vmem>>) target_semaphore(%arg22 : memref<!tpu.dma_semaphore, #tpu.memory_space<semaphore_mem>>)
        %mul3A_197 = arith.constant 512 : i32
        %mul3A_198 = arith.muli %add3A_191, %mul3A_197 : i32
        %add3A_199 = arith.addi %mul3A_14, %mul3A_198 : i32
        %dma_start3A_200 = tpu.memref_slice %arg4[%add3A_199] : memref<3244032xi32, #tpu.memory_space<hbm>> -> memref<512xi32, #tpu.memory_space<hbm>>
        %dma_start3A_201 = tpu.memref_slice %arg4[%add3A_199] : memref<3244032xi32, #tpu.memory_space<hbm>> -> memref<512xi32, #tpu.memory_space<hbm>>
        tpu.enqueue_dma source(%dma_start3A_201 : memref<512xi32, #tpu.memory_space<hbm>>) target(%arg12 : memref<512xi32, #tpu.memory_space<vmem>>) target_semaphore(%arg22 : memref<!tpu.dma_semaphore, #tpu.memory_space<semaphore_mem>>)
      } else {
      }
      tpu.wait_dma2 semaphore(%arg25 : memref<!tpu.dma_semaphore, #tpu.memory_space<semaphore_mem>>) src(%arg3 : memref<3244032xi32, #tpu.memory_space<hbm>>) dst(%arg9 : memref<512xi32, #tpu.memory_space<vmem>>)
      tpu.wait_dma2 semaphore(%arg25 : memref<!tpu.dma_semaphore, #tpu.memory_space<semaphore_mem>>) src(%arg3 : memref<3244032xi32, #tpu.memory_space<hbm>>) dst(%arg15 : memref<512xi32, #tpu.memory_space<vmem>>)
      %dma_start3A_116 = arith.constant 0 : i32
      %dma_start3A_117 = arith.constant 0 : i32
      %dma_start3A_118 = tpu.memref_slice %arg2[%dma_start3A_116, %dma_start3A_117] : memref<100352x16xf32, #tpu.memory_space<hbm>> -> memref<100352x16xf32, #tpu.memory_space<hbm>>
      tpu.enqueue_indirect_dma source(%dma_start3A_118 : memref<100352x16xf32, #tpu.memory_space<hbm>>) target(%arg18 : memref<512x16xf32, #tpu.memory_space<vmem>>) offsets(%arg9 : memref<512xi32, #tpu.memory_space<vmem>>) semaphore(%arg28 : memref<!tpu.dma_semaphore, #tpu.memory_space<semaphore_mem>>)
      tpu.wait_dma2 semaphore(%arg30 : memref<!tpu.dma_semaphore, #tpu.memory_space<semaphore_mem>>) src(%arg2 : memref<100352x16xf32, #tpu.memory_space<hbm>>) dst(%arg20 : memref<512x16xf32, #tpu.memory_space<vmem>>)
      %dma_start3A_119 = arith.constant 0 : i32
      %dma_start3A_120 = arith.constant 0 : i32
      %dma_start3A_121 = tpu.memref_slice %arg21[%dma_start3A_119, %dma_start3A_120] : memref<100352x16xf32, #tpu.memory_space<vmem_shared>> -> memref<100352x16xf32, #tpu.memory_space<vmem_shared>>
      tpu.enqueue_indirect_dma source(%arg20 : memref<512x16xf32, #tpu.memory_space<vmem>>) target(%dma_start3A_121 : memref<100352x16xf32, #tpu.memory_space<vmem_shared>>) offsets(%arg14 : memref<512xi32, #tpu.memory_space<vmem>>) semaphore(%arg33 : memref<!tpu.dma_semaphore, #tpu.memory_space<semaphore_mem>>) {add = true}
      %dma_wait3A_122 = arith.constant 0 : i32
      %dma_wait3A_123 = arith.constant 0 : i32
      %dma_wait3A_124 = tpu.memref_slice %arg21[%dma_wait3A_122, %dma_wait3A_123] : memref<100352x16xf32, #tpu.memory_space<vmem_shared>> -> memref<100352x16xf32, #tpu.memory_space<vmem_shared>>
      tpu.wait_indirect_dma semaphore(%arg32 : memref<!tpu.dma_semaphore, #tpu.memory_space<semaphore_mem>>) src(%arg19 : memref<512x16xf32, #tpu.memory_space<vmem>>) dst(%dma_wait3A_124 : memref<100352x16xf32, #tpu.memory_space<vmem_shared>>)
      %mul3A_125 = arith.constant 6 : i32
      %mul3A_126 = arith.muli %mul3A_125, %scan3A_83 : i32
      %add3A_127 = arith.constant 3 : i32
      %add3A_128 = arith.addi %mul3A_126, %add3A_127 : i32
      %add3A_129 = arith.constant 4 : i32
      %add3A_130 = arith.addi %add3A_128, %add3A_129 : i32
      %lt3A_131 = arith.constant 198 : i32
      %lt3A_132 = arith.cmpi slt, %add3A_130, %lt3A_131 : i32
      %convert_element_type3A_133 = arith.extui %lt3A_132 : i1 to i32
      %cond3A_134 = arith.constant 0 : i32
      %cond3A_135 = arith.cmpi ne, %convert_element_type3A_133, %cond3A_134 : i32
      scf.if %cond3A_135 {
        %mul3A_186 = arith.constant 6 : i32
        %mul3A_187 = arith.muli %mul3A_186, %scan3A_83 : i32
        %add3A_188 = arith.constant 3 : i32
        %add3A_189 = arith.addi %mul3A_187, %add3A_188 : i32
        %add3A_190 = arith.constant 4 : i32
        %add3A_191 = arith.addi %add3A_189, %add3A_190 : i32
        %mul3A_192 = arith.constant 512 : i32
        %mul3A_193 = arith.muli %add3A_191, %mul3A_192 : i32
        %add3A_194 = arith.addi %mul3A_14, %mul3A_193 : i32
        %dma_start3A_195 = tpu.memref_slice %arg3[%add3A_194] : memref<3244032xi32, #tpu.memory_space<hbm>> -> memref<512xi32, #tpu.memory_space<hbm>>
        %dma_start3A_196 = tpu.memref_slice %arg3[%add3A_194] : memref<3244032xi32, #tpu.memory_space<hbm>> -> memref<512xi32, #tpu.memory_space<hbm>>
        tpu.enqueue_dma source(%dma_start3A_196 : memref<512xi32, #tpu.memory_space<hbm>>) target(%arg7 : memref<512xi32, #tpu.memory_space<vmem>>) target_semaphore(%arg23 : memref<!tpu.dma_semaphore, #tpu.memory_space<semaphore_mem>>)
        %mul3A_197 = arith.constant 512 : i32
        %mul3A_198 = arith.muli %add3A_191, %mul3A_197 : i32
        %add3A_199 = arith.addi %mul3A_14, %mul3A_198 : i32
        %dma_start3A_200 = tpu.memref_slice %arg4[%add3A_199] : memref<3244032xi32, #tpu.memory_space<hbm>> -> memref<512xi32, #tpu.memory_space<hbm>>
        %dma_start3A_201 = tpu.memref_slice %arg4[%add3A_199] : memref<3244032xi32, #tpu.memory_space<hbm>> -> memref<512xi32, #tpu.memory_space<hbm>>
        tpu.enqueue_dma source(%dma_start3A_201 : memref<512xi32, #tpu.memory_space<hbm>>) target(%arg13 : memref<512xi32, #tpu.memory_space<vmem>>) target_semaphore(%arg23 : memref<!tpu.dma_semaphore, #tpu.memory_space<semaphore_mem>>)
      } else {
      }
      tpu.wait_dma2 semaphore(%arg26 : memref<!tpu.dma_semaphore, #tpu.memory_space<semaphore_mem>>) src(%arg3 : memref<3244032xi32, #tpu.memory_space<hbm>>) dst(%arg10 : memref<512xi32, #tpu.memory_space<vmem>>)
      tpu.wait_dma2 semaphore(%arg26 : memref<!tpu.dma_semaphore, #tpu.memory_space<semaphore_mem>>) src(%arg3 : memref<3244032xi32, #tpu.memory_space<hbm>>) dst(%arg16 : memref<512xi32, #tpu.memory_space<vmem>>)
      %dma_start3A_136 = arith.constant 0 : i32
      %dma_start3A_137 = arith.constant 0 : i32
      %dma_start3A_138 = tpu.memref_slice %arg2[%dma_start3A_136, %dma_start3A_137] : memref<100352x16xf32, #tpu.memory_space<hbm>> -> memref<100352x16xf32, #tpu.memory_space<hbm>>
      tpu.enqueue_indirect_dma source(%dma_start3A_138 : memref<100352x16xf32, #tpu.memory_space<hbm>>) target(%arg19 : memref<512x16xf32, #tpu.memory_space<vmem>>) offsets(%arg10 : memref<512xi32, #tpu.memory_space<vmem>>) semaphore(%arg29 : memref<!tpu.dma_semaphore, #tpu.memory_space<semaphore_mem>>)
      tpu.wait_dma2 semaphore(%arg28 : memref<!tpu.dma_semaphore, #tpu.memory_space<semaphore_mem>>) src(%arg2 : memref<100352x16xf32, #tpu.memory_space<hbm>>) dst(%arg18 : memref<512x16xf32, #tpu.memory_space<vmem>>)
      %dma_start3A_139 = arith.constant 0 : i32
      %dma_start3A_140 = arith.constant 0 : i32
      %dma_start3A_141 = tpu.memref_slice %arg21[%dma_start3A_139, %dma_start3A_140] : memref<100352x16xf32, #tpu.memory_space<vmem_shared>> -> memref<100352x16xf32, #tpu.memory_space<vmem_shared>>
      tpu.enqueue_indirect_dma source(%arg18 : memref<512x16xf32, #tpu.memory_space<vmem>>) target(%dma_start3A_141 : memref<100352x16xf32, #tpu.memory_space<vmem_shared>>) offsets(%arg15 : memref<512xi32, #tpu.memory_space<vmem>>) semaphore(%arg31 : memref<!tpu.dma_semaphore, #tpu.memory_space<semaphore_mem>>) {add = true}
      %dma_wait3A_142 = arith.constant 0 : i32
      %dma_wait3A_143 = arith.constant 0 : i32
      %dma_wait3A_144 = tpu.memref_slice %arg21[%dma_wait3A_142, %dma_wait3A_143] : memref<100352x16xf32, #tpu.memory_space<vmem_shared>> -> memref<100352x16xf32, #tpu.memory_space<vmem_shared>>
      tpu.wait_indirect_dma semaphore(%arg33 : memref<!tpu.dma_semaphore, #tpu.memory_space<semaphore_mem>>) src(%arg20 : memref<512x16xf32, #tpu.memory_space<vmem>>) dst(%dma_wait3A_144 : memref<100352x16xf32, #tpu.memory_space<vmem_shared>>)
      %mul3A_145 = arith.constant 6 : i32
      %mul3A_146 = arith.muli %mul3A_145, %scan3A_83 : i32
      %add3A_147 = arith.constant 4 : i32
      %add3A_148 = arith.addi %mul3A_146, %add3A_147 : i32
      %add3A_149 = arith.constant 4 : i32
      %add3A_150 = arith.addi %add3A_148, %add3A_149 : i32
      %lt3A_151 = arith.constant 198 : i32
      %lt3A_152 = arith.cmpi slt, %add3A_150, %lt3A_151 : i32
      %convert_element_type3A_153 = arith.extui %lt3A_152 : i1 to i32
      %cond3A_154 = arith.constant 0 : i32
      %cond3A_155 = arith.cmpi ne, %convert_element_type3A_153, %cond3A_154 : i32
      scf.if %cond3A_155 {
        %mul3A_186 = arith.constant 6 : i32
        %mul3A_187 = arith.muli %mul3A_186, %scan3A_83 : i32
        %add3A_188 = arith.constant 4 : i32
        %add3A_189 = arith.addi %mul3A_187, %add3A_188 : i32
        %add3A_190 = arith.constant 4 : i32
        %add3A_191 = arith.addi %add3A_189, %add3A_190 : i32
        %mul3A_192 = arith.constant 512 : i32
        %mul3A_193 = arith.muli %add3A_191, %mul3A_192 : i32
        %add3A_194 = arith.addi %mul3A_14, %mul3A_193 : i32
        %dma_start3A_195 = tpu.memref_slice %arg3[%add3A_194] : memref<3244032xi32, #tpu.memory_space<hbm>> -> memref<512xi32, #tpu.memory_space<hbm>>
        %dma_start3A_196 = tpu.memref_slice %arg3[%add3A_194] : memref<3244032xi32, #tpu.memory_space<hbm>> -> memref<512xi32, #tpu.memory_space<hbm>>
        tpu.enqueue_dma source(%dma_start3A_196 : memref<512xi32, #tpu.memory_space<hbm>>) target(%arg8 : memref<512xi32, #tpu.memory_space<vmem>>) target_semaphore(%arg24 : memref<!tpu.dma_semaphore, #tpu.memory_space<semaphore_mem>>)
        %mul3A_197 = arith.constant 512 : i32
        %mul3A_198 = arith.muli %add3A_191, %mul3A_197 : i32
        %add3A_199 = arith.addi %mul3A_14, %mul3A_198 : i32
        %dma_start3A_200 = tpu.memref_slice %arg4[%add3A_199] : memref<3244032xi32, #tpu.memory_space<hbm>> -> memref<512xi32, #tpu.memory_space<hbm>>
        %dma_start3A_201 = tpu.memref_slice %arg4[%add3A_199] : memref<3244032xi32, #tpu.memory_space<hbm>> -> memref<512xi32, #tpu.memory_space<hbm>>
        tpu.enqueue_dma source(%dma_start3A_201 : memref<512xi32, #tpu.memory_space<hbm>>) target(%arg14 : memref<512xi32, #tpu.memory_space<vmem>>) target_semaphore(%arg24 : memref<!tpu.dma_semaphore, #tpu.memory_space<semaphore_mem>>)
      } else {
      }
      tpu.wait_dma2 semaphore(%arg27 : memref<!tpu.dma_semaphore, #tpu.memory_space<semaphore_mem>>) src(%arg3 : memref<3244032xi32, #tpu.memory_space<hbm>>) dst(%arg11 : memref<512xi32, #tpu.memory_space<vmem>>)
      tpu.wait_dma2 semaphore(%arg27 : memref<!tpu.dma_semaphore, #tpu.memory_space<semaphore_mem>>) src(%arg3 : memref<3244032xi32, #tpu.memory_space<hbm>>) dst(%arg17 : memref<512xi32, #tpu.memory_space<vmem>>)
      %dma_start3A_156 = arith.constant 0 : i32
      %dma_start3A_157 = arith.constant 0 : i32
      %dma_start3A_158 = tpu.memref_slice %arg2[%dma_start3A_156, %dma_start3A_157] : memref<100352x16xf32, #tpu.memory_space<hbm>> -> memref<100352x16xf32, #tpu.memory_space<hbm>>
      tpu.enqueue_indirect_dma source(%dma_start3A_158 : memref<100352x16xf32, #tpu.memory_space<hbm>>) target(%arg20 : memref<512x16xf32, #tpu.memory_space<vmem>>) offsets(%arg11 : memref<512xi32, #tpu.memory_space<vmem>>) semaphore(%arg30 : memref<!tpu.dma_semaphore, #tpu.memory_space<semaphore_mem>>)
      tpu.wait_dma2 semaphore(%arg29 : memref<!tpu.dma_semaphore, #tpu.memory_space<semaphore_mem>>) src(%arg2 : memref<100352x16xf32, #tpu.memory_space<hbm>>) dst(%arg19 : memref<512x16xf32, #tpu.memory_space<vmem>>)
      %dma_start3A_159 = arith.constant 0 : i32
      %dma_start3A_160 = arith.constant 0 : i32
      %dma_start3A_161 = tpu.memref_slice %arg21[%dma_start3A_159, %dma_start3A_160] : memref<100352x16xf32, #tpu.memory_space<vmem_shared>> -> memref<100352x16xf32, #tpu.memory_space<vmem_shared>>
      tpu.enqueue_indirect_dma source(%arg19 : memref<512x16xf32, #tpu.memory_space<vmem>>) target(%dma_start3A_161 : memref<100352x16xf32, #tpu.memory_space<vmem_shared>>) offsets(%arg16 : memref<512xi32, #tpu.memory_space<vmem>>) semaphore(%arg32 : memref<!tpu.dma_semaphore, #tpu.memory_space<semaphore_mem>>) {add = true}
      %dma_wait3A_162 = arith.constant 0 : i32
      %dma_wait3A_163 = arith.constant 0 : i32
      %dma_wait3A_164 = tpu.memref_slice %arg21[%dma_wait3A_162, %dma_wait3A_163] : memref<100352x16xf32, #tpu.memory_space<vmem_shared>> -> memref<100352x16xf32, #tpu.memory_space<vmem_shared>>
      tpu.wait_indirect_dma semaphore(%arg31 : memref<!tpu.dma_semaphore, #tpu.memory_space<semaphore_mem>>) src(%arg18 : memref<512x16xf32, #tpu.memory_space<vmem>>) dst(%dma_wait3A_164 : memref<100352x16xf32, #tpu.memory_space<vmem_shared>>)
      %mul3A_165 = arith.constant 6 : i32
      %mul3A_166 = arith.muli %mul3A_165, %scan3A_83 : i32
      %add3A_167 = arith.constant 5 : i32
      %add3A_168 = arith.addi %mul3A_166, %add3A_167 : i32
      %add3A_169 = arith.constant 4 : i32
      %add3A_170 = arith.addi %add3A_168, %add3A_169 : i32
      %lt3A_171 = arith.constant 198 : i32
      %lt3A_172 = arith.cmpi slt, %add3A_170, %lt3A_171 : i32
      %convert_element_type3A_173 = arith.extui %lt3A_172 : i1 to i32
      %cond3A_174 = arith.constant 0 : i32
      %cond3A_175 = arith.cmpi ne, %convert_element_type3A_173, %cond3A_174 : i32
      scf.if %cond3A_175 {
        %mul3A_186 = arith.constant 6 : i32
        %mul3A_187 = arith.muli %mul3A_186, %scan3A_83 : i32
        %add3A_188 = arith.constant 5 : i32
        %add3A_189 = arith.addi %mul3A_187, %add3A_188 : i32
        %add3A_190 = arith.constant 4 : i32
        %add3A_191 = arith.addi %add3A_189, %add3A_190 : i32
        %mul3A_192 = arith.constant 512 : i32
        %mul3A_193 = arith.muli %add3A_191, %mul3A_192 : i32
        %add3A_194 = arith.addi %mul3A_14, %mul3A_193 : i32
        %dma_start3A_195 = tpu.memref_slice %arg3[%add3A_194] : memref<3244032xi32, #tpu.memory_space<hbm>> -> memref<512xi32, #tpu.memory_space<hbm>>
        %dma_start3A_196 = tpu.memref_slice %arg3[%add3A_194] : memref<3244032xi32, #tpu.memory_space<hbm>> -> memref<512xi32, #tpu.memory_space<hbm>>
        tpu.enqueue_dma source(%dma_start3A_196 : memref<512xi32, #tpu.memory_space<hbm>>) target(%arg9 : memref<512xi32, #tpu.memory_space<vmem>>) target_semaphore(%arg25 : memref<!tpu.dma_semaphore, #tpu.memory_space<semaphore_mem>>)
        %mul3A_197 = arith.constant 512 : i32
        %mul3A_198 = arith.muli %add3A_191, %mul3A_197 : i32
        %add3A_199 = arith.addi %mul3A_14, %mul3A_198 : i32
        %dma_start3A_200 = tpu.memref_slice %arg4[%add3A_199] : memref<3244032xi32, #tpu.memory_space<hbm>> -> memref<512xi32, #tpu.memory_space<hbm>>
        %dma_start3A_201 = tpu.memref_slice %arg4[%add3A_199] : memref<3244032xi32, #tpu.memory_space<hbm>> -> memref<512xi32, #tpu.memory_space<hbm>>
        tpu.enqueue_dma source(%dma_start3A_201 : memref<512xi32, #tpu.memory_space<hbm>>) target(%arg15 : memref<512xi32, #tpu.memory_space<vmem>>) target_semaphore(%arg25 : memref<!tpu.dma_semaphore, #tpu.memory_space<semaphore_mem>>)
      } else {
      }
      %add3A_176 = arith.constant 1 : i32
      %add3A_177 = arith.addi %scan3A_83, %add3A_176 : i32
      %lt3A_178 = arith.constant 33 : i32
      %lt3A_179 = arith.cmpi slt, %add3A_177, %lt3A_178 : i32
      %convert_element_type3A_180 = arith.extui %lt3A_179 : i1 to i32
      %cond3A_181 = arith.constant 0 : i32
      %cond3A_182 = arith.cmpi ne, %convert_element_type3A_180, %cond3A_181 : i32
      scf.if %cond3A_182 {
        tpu.wait_dma2 semaphore(%arg22 : memref<!tpu.dma_semaphore, #tpu.memory_space<semaphore_mem>>) src(%arg3 : memref<3244032xi32, #tpu.memory_space<hbm>>) dst(%arg6 : memref<512xi32, #tpu.memory_space<vmem>>)
        tpu.wait_dma2 semaphore(%arg22 : memref<!tpu.dma_semaphore, #tpu.memory_space<semaphore_mem>>) src(%arg3 : memref<3244032xi32, #tpu.memory_space<hbm>>) dst(%arg12 : memref<512xi32, #tpu.memory_space<vmem>>)
        %dma_start3A_186 = arith.constant 0 : i32
        %dma_start3A_187 = arith.constant 0 : i32
        %dma_start3A_188 = tpu.memref_slice %arg2[%dma_start3A_186, %dma_start3A_187] : memref<100352x16xf32, #tpu.memory_space<hbm>> -> memref<100352x16xf32, #tpu.memory_space<hbm>>
        tpu.enqueue_indirect_dma source(%dma_start3A_188 : memref<100352x16xf32, #tpu.memory_space<hbm>>) target(%arg18 : memref<512x16xf32, #tpu.memory_space<vmem>>) offsets(%arg6 : memref<512xi32, #tpu.memory_space<vmem>>) semaphore(%arg28 : memref<!tpu.dma_semaphore, #tpu.memory_space<semaphore_mem>>)
      } else {
      }
      tpu.wait_dma2 semaphore(%arg30 : memref<!tpu.dma_semaphore, #tpu.memory_space<semaphore_mem>>) src(%arg2 : memref<100352x16xf32, #tpu.memory_space<hbm>>) dst(%arg20 : memref<512x16xf32, #tpu.memory_space<vmem>>)
      %dma_start3A_183 = arith.constant 0 : i32
      %dma_start3A_184 = arith.constant 0 : i32
      %dma_start3A_185 = tpu.memref_slice %arg21[%dma_start3A_183, %dma_start3A_184] : memref<100352x16xf32, #tpu.memory_space<vmem_shared>> -> memref<100352x16xf32, #tpu.memory_space<vmem_shared>>
      tpu.enqueue_indirect_dma source(%arg20 : memref<512x16xf32, #tpu.memory_space<vmem>>) target(%dma_start3A_185 : memref<100352x16xf32, #tpu.memory_space<vmem_shared>>) offsets(%arg17 : memref<512xi32, #tpu.memory_space<vmem>>) semaphore(%arg33 : memref<!tpu.dma_semaphore, #tpu.memory_space<semaphore_mem>>) {add = true}
    }
    %scan3A_70 = arith.constant 33 : i32
    %dma_wait3A = arith.constant 0 : i32
    %dma_wait3A_71 = arith.constant 0 : i32
    %dma_wait3A_72 = tpu.memref_slice %arg21[%dma_wait3A, %dma_wait3A_71] : memref<100352x16xf32, #tpu.memory_space<vmem_shared>> -> memref<100352x16xf32, #tpu.memory_space<vmem_shared>>
    tpu.wait_indirect_dma semaphore(%arg32 : memref<!tpu.dma_semaphore, #tpu.memory_space<semaphore_mem>>) src(%arg19 : memref<512x16xf32, #tpu.memory_space<vmem>>) dst(%dma_wait3A_72 : memref<100352x16xf32, #tpu.memory_space<vmem_shared>>)
    %dma_wait3A_73 = arith.constant 0 : i32
    %dma_wait3A_74 = arith.constant 0 : i32
    %dma_wait3A_75 = tpu.memref_slice %arg21[%dma_wait3A_73, %dma_wait3A_74] : memref<100352x16xf32, #tpu.memory_space<vmem_shared>> -> memref<100352x16xf32, #tpu.memory_space<vmem_shared>>
    tpu.wait_indirect_dma semaphore(%arg33 : memref<!tpu.dma_semaphore, #tpu.memory_space<semaphore_mem>>) src(%arg20 : memref<512x16xf32, #tpu.memory_space<vmem>>) dst(%dma_wait3A_75 : memref<100352x16xf32, #tpu.memory_space<vmem_shared>>)
    %barrier3A_76 = arith.constant 0 : index
    tpu.barrier barrier_id(%barrier3A_76)
    %scan3A_77 = arith.constant 0 : i32
    %scan3A_78 = arith.constant 0 : i32
    %scan3A_79 = arith.constant 14 : i32
    %scan3A_80 = arith.addi %scan3A_78, %scan3A_79 : i32
    %scan3A_81 = arith.constant 1 : i32
    scf.for %scan3A_83 = %scan3A_78 to %scan3A_80 step %scan3A_81  : i32 {
      %mul3A_84 = arith.constant 6272 : i32
      %mul3A_85 = arith.muli %arg1, %mul3A_84 : i32
      %mul3A_86 = arith.constant 448 : i32
      %mul3A_87 = arith.muli %scan3A_83, %mul3A_86 : i32
      %add3A_88 = arith.addi %mul3A_85, %mul3A_87 : i32
      "tpu.region"() ({
        %run_scoped3A = tpu.sem_alloc : memref<!tpu.dma_semaphore, #tpu.memory_space<semaphore_mem>>
        %dma_start3A_97 = arith.constant 0 : i32
        %dma_start3A_98 = arith.constant 0 : i32
        %dma_start3A_99 = tpu.memref_slice %arg18[%dma_start3A_97, %dma_start3A_98] : memref<512x16xf32, #tpu.memory_space<vmem>> -> memref<448x16xf32, #tpu.memory_space<vmem>>
        %dma_start3A_100 = arith.constant 0 : i32
        %dma_start3A_101 = tpu.memref_slice %arg21[%add3A_88, %dma_start3A_100] : memref<100352x16xf32, #tpu.memory_space<vmem_shared>> -> memref<448x16xf32, #tpu.memory_space<vmem_shared>>
        %dma_start3A_102 = arith.constant 0 : i32
        %dma_start3A_103 = arith.constant 0 : i32
        %dma_start3A_104 = tpu.memref_slice %arg18[%dma_start3A_102, %dma_start3A_103] : memref<512x16xf32, #tpu.memory_space<vmem>> -> memref<448x16xf32, #tpu.memory_space<vmem>>
        %dma_start3A_105 = arith.constant 0 : i32
        %dma_start3A_106 = tpu.memref_slice %arg21[%add3A_88, %dma_start3A_105] : memref<100352x16xf32, #tpu.memory_space<vmem_shared>> -> memref<448x16xf32, #tpu.memory_space<vmem_shared>>
        tpu.enqueue_dma source(%dma_start3A_106 : memref<448x16xf32, #tpu.memory_space<vmem_shared>>) target(%dma_start3A_104 : memref<448x16xf32, #tpu.memory_space<vmem>>) target_semaphore(%run_scoped3A : memref<!tpu.dma_semaphore, #tpu.memory_space<semaphore_mem>>)
        %dma_wait3A_107 = arith.constant 0 : i32
        %dma_wait3A_108 = arith.constant 0 : i32
        %dma_wait3A_109 = tpu.memref_slice %arg18[%dma_wait3A_107, %dma_wait3A_108] : memref<512x16xf32, #tpu.memory_space<vmem>> -> memref<448x16xf32, #tpu.memory_space<vmem>>
        %dma_wait3A_110 = arith.constant 0 : i32
        %dma_wait3A_111 = tpu.memref_slice %arg21[%add3A_88, %dma_wait3A_110] : memref<100352x16xf32, #tpu.memory_space<vmem_shared>> -> memref<448x16xf32, #tpu.memory_space<vmem_shared>>
        %dma_wait3A_112 = arith.constant 0 : i32
        %dma_wait3A_113 = arith.constant 0 : i32
        %dma_wait3A_114 = tpu.memref_slice %arg18[%dma_wait3A_112, %dma_wait3A_113] : memref<512x16xf32, #tpu.memory_space<vmem>> -> memref<448x16xf32, #tpu.memory_space<vmem>>
        %dma_wait3A_115 = arith.constant 0 : i32
        %dma_wait3A_116 = tpu.memref_slice %arg21[%add3A_88, %dma_wait3A_115] : memref<100352x16xf32, #tpu.memory_space<vmem_shared>> -> memref<448x16xf32, #tpu.memory_space<vmem_shared>>
        tpu.wait_dma2 semaphore(%run_scoped3A : memref<!tpu.dma_semaphore, #tpu.memory_space<semaphore_mem>>) src(%dma_wait3A_116 : memref<448x16xf32, #tpu.memory_space<vmem_shared>>) dst(%dma_wait3A_114 : memref<448x16xf32, #tpu.memory_space<vmem>>)
        tpu.yield
      }) : () -> ()
      %mul3A_89 = arith.constant 100352 : i32
      %mul3A_90 = arith.muli %arg0, %mul3A_89 : i32
      %mul3A_91 = arith.constant 6272 : i32
      %mul3A_92 = arith.muli %arg1, %mul3A_91 : i32
      %add3A_93 = arith.addi %mul3A_90, %mul3A_92 : i32
      %mul3A_94 = arith.constant 448 : i32
      %mul3A_95 = arith.muli %scan3A_83, %mul3A_94 : i32
      %add3A_96 = arith.addi %add3A_93, %mul3A_95 : i32
      "tpu.region"() ({
        %run_scoped3A = tpu.sem_alloc : memref<!tpu.dma_semaphore, #tpu.memory_space<semaphore_mem>>
        %dma_start3A_97 = arith.constant 0 : i32
        %dma_start3A_98 = arith.constant 0 : i32
        %dma_start3A_99 = tpu.memref_slice %arg18[%dma_start3A_97, %dma_start3A_98] : memref<512x16xf32, #tpu.memory_space<vmem>> -> memref<448x16xf32, #tpu.memory_space<vmem>>
        %dma_start3A_100 = arith.constant 0 : i32
        %dma_start3A_101 = tpu.memref_slice %arg5[%add3A_96, %dma_start3A_100] : memref<200704x16xf32, #tpu.memory_space<hbm>> -> memref<448x16xf32, #tpu.memory_space<hbm>>
        %dma_start3A_102 = arith.constant 0 : i32
        %dma_start3A_103 = tpu.memref_slice %arg5[%add3A_96, %dma_start3A_102] : memref<200704x16xf32, #tpu.memory_space<hbm>> -> memref<448x16xf32, #tpu.memory_space<hbm>>
        %dma_start3A_104 = arith.constant 0 : i32
        %dma_start3A_105 = arith.constant 0 : i32
        %dma_start3A_106 = tpu.memref_slice %arg18[%dma_start3A_104, %dma_start3A_105] : memref<512x16xf32, #tpu.memory_space<vmem>> -> memref<448x16xf32, #tpu.memory_space<vmem>>
        tpu.enqueue_dma source(%dma_start3A_106 : memref<448x16xf32, #tpu.memory_space<vmem>>) target(%dma_start3A_103 : memref<448x16xf32, #tpu.memory_space<hbm>>) target_semaphore(%run_scoped3A : memref<!tpu.dma_semaphore, #tpu.memory_space<semaphore_mem>>)
        %dma_wait3A_107 = arith.constant 0 : i32
        %dma_wait3A_108 = arith.constant 0 : i32
        %dma_wait3A_109 = tpu.memref_slice %arg18[%dma_wait3A_107, %dma_wait3A_108] : memref<512x16xf32, #tpu.memory_space<vmem>> -> memref<448x16xf32, #tpu.memory_space<vmem>>
        %dma_wait3A_110 = arith.constant 0 : i32
        %dma_wait3A_111 = tpu.memref_slice %arg5[%add3A_96, %dma_wait3A_110] : memref<200704x16xf32, #tpu.memory_space<hbm>> -> memref<448x16xf32, #tpu.memory_space<hbm>>
        %dma_wait3A_112 = arith.constant 0 : i32
        %dma_wait3A_113 = tpu.memref_slice %arg5[%add3A_96, %dma_wait3A_112] : memref<200704x16xf32, #tpu.memory_space<hbm>> -> memref<448x16xf32, #tpu.memory_space<hbm>>
        %dma_wait3A_114 = arith.constant 0 : i32
        %dma_wait3A_115 = arith.constant 0 : i32
        %dma_wait3A_116 = tpu.memref_slice %arg18[%dma_wait3A_114, %dma_wait3A_115] : memref<512x16xf32, #tpu.memory_space<vmem>> -> memref<448x16xf32, #tpu.memory_space<vmem>>
        tpu.wait_dma2 semaphore(%run_scoped3A : memref<!tpu.dma_semaphore, #tpu.memory_space<semaphore_mem>>) src(%dma_wait3A_116 : memref<448x16xf32, #tpu.memory_space<vmem>>) dst(%dma_wait3A_113 : memref<448x16xf32, #tpu.memory_space<hbm>>)
        tpu.yield
      }) : () -> ()
    }
    %scan3A_82 = arith.constant 14 : i32
    return
  }
}

module attributes {stable_mosaic.version = 14 : i64} {
  func.func @lin_body(%arg0: i32, %arg1: memref<2048x128xf32, #tpu.memory_space<vmem>>, %arg2: memref<128x16xf32, #tpu.memory_space<vmem>>, %arg3: memref<1x16xf32, #tpu.memory_space<vmem>>, %arg4: memref<16x128xf32, #tpu.memory_space<vmem>>, %arg5: memref<16x128xf32, #tpu.memory_space<vmem>>, %arg6: memref<256x128xf32, #tpu.memory_space<vmem>>, %arg7: memref<16x128xf32, #tpu.memory_space<vmem>>) attributes {dimension_semantics = [#tpu.dimension_semantics<arbitrary>], iteration_bounds = array<i64: 49>, scalar_prefetch = 0 : i64, scratch_operands = 0 : i64, tpu.core_type = #tpu.core_type<tc>, window_params = [{transform_indices = @transform_0, window_bounds = array<i64: 2048, 128>}, {pipeline_mode = #tpu.pipeline_mode<synchronous>, transform_indices = @transform_1, window_bounds = array<i64: 128, 16>}, {pipeline_mode = #tpu.pipeline_mode<synchronous>, transform_indices = @transform_2, window_bounds = array<i64: 1, 16>}, {transform_indices = @transform_3, window_bounds = array<i64: 16, 128>}, {transform_indices = @transform_4, window_bounds = array<i64: 16, 128>}, {transform_indices = @transform_5, window_bounds = array<i64: 256, 128>}, {transform_indices = @transform_6, window_bounds = array<i64: 16, 128>}]} {
    %get3A = arith.constant 0 : index
    %get3A_0 = arith.constant 0 : index
    %get3A_1 = vector.load %arg1[%get3A, %get3A_0] : memref<2048x128xf32, #tpu.memory_space<vmem>>, vector<2048x128xf32>
    %get3A_2 = arith.constant 0 : index
    %get3A_3 = arith.constant 0 : index
    %get3A_4 = vector.load %arg2[%get3A_2, %get3A_3] : memref<128x16xf32, #tpu.memory_space<vmem>>, vector<128x16xf32>
    %dot_general3A = arith.constant dense<0.000000e+00> : vector<2048x16xf32>
    %dot_general3A_5 = tpu.matmul %get3A_1, %get3A_4, %dot_general3A {dimension_numbers = #tpu.dot_dimension_numbers<[1], [0], [0], [1], [0, 0, 1, 1], [], []>, transpose_lhs_hint = false} : vector<2048x128xf32>, vector<128x16xf32>, vector<2048x16xf32> -> vector<2048x16xf32>
    %get3A_6 = arith.constant 0 : index
    %get3A_7 = arith.constant 0 : index
    %get3A_8 = vector.load %arg3[%get3A_6, %get3A_7] : memref<1x16xf32, #tpu.memory_space<vmem>>, vector<1x16xf32>
    %add3A = vector.broadcast %get3A_8 : vector<1x16xf32> to vector<2048x16xf32>
    %add3A_9 = arith.addf %dot_general3A_5, %add3A : vector<2048x16xf32>
    %get3A_10 = arith.constant 0 : index
    %get3A_11 = arith.constant 0 : index
    %get3A_12 = vector.load %arg4[%get3A_10, %get3A_11] : memref<16x128xf32, #tpu.memory_space<vmem>>, vector<16x128xf32>
    %add3A_13 = arith.constant 1.000000e+00 : f32
    %add3A_14 = vector.broadcast %add3A_13 : f32 to vector<16x128xf32>
    %add3A_15 = arith.addf %add3A_14, %get3A_12 : vector<16x128xf32>
    %get3A_16 = arith.constant 0 : index
    %get3A_17 = arith.constant 0 : index
    %get3A_18 = vector.load %arg5[%get3A_16, %get3A_17] : memref<16x128xf32, #tpu.memory_space<vmem>>, vector<16x128xf32>
    %add3A_19 = arith.addf %add3A_15, %get3A_18 : vector<16x128xf32>
    %rsqrt3A = math.rsqrt %add3A_19 : vector<16x128xf32>
    %swap3A = arith.constant 0 : index
    %swap3A_20 = arith.constant 0 : index
    %swap3A_21 = vector.load %arg7[%swap3A, %swap3A_20] : memref<16x128xf32, #tpu.memory_space<vmem>>, vector<16x128xf32>
    tpu.vector_store %arg7[%swap3A, %swap3A_20], %rsqrt3A {strides = array<i32>} : memref<16x128xf32, #tpu.memory_space<vmem>>, vector<16x128xf32>,
    %transpose3A = tpu.transpose %rsqrt3A, [1, 0] : vector<16x128xf32> -> vector<128x16xf32>
    %slice3A = vector.extract_strided_slice %add3A_9 {offsets = [0, 0], sizes = [128, 16], strides = [1, 1]} : vector<2048x16xf32> to vector<128x16xf32>
    %slice3A_22 = vector.extract_strided_slice %transpose3A {offsets = [0, 0], sizes = [128, 1], strides = [1, 1]} : vector<128x16xf32> to vector<128x1xf32>
    %mul3A = vector.broadcast %slice3A_22 : vector<128x1xf32> to vector<128x16xf32>
    %mul3A_23 = arith.mulf %slice3A, %mul3A : vector<128x16xf32>
    %slice3A_24 = vector.extract_strided_slice %add3A_9 {offsets = [128, 0], sizes = [128, 16], strides = [1, 1]} : vector<2048x16xf32> to vector<128x16xf32>
    %slice3A_25 = vector.extract_strided_slice %transpose3A {offsets = [0, 1], sizes = [128, 1], strides = [1, 1]} : vector<128x16xf32> to vector<128x1xf32>
    %mul3A_26 = vector.broadcast %slice3A_25 : vector<128x1xf32> to vector<128x16xf32>
    %mul3A_27 = arith.mulf %slice3A_24, %mul3A_26 : vector<128x16xf32>
    %slice3A_28 = vector.extract_strided_slice %add3A_9 {offsets = [256, 0], sizes = [128, 16], strides = [1, 1]} : vector<2048x16xf32> to vector<128x16xf32>
    %slice3A_29 = vector.extract_strided_slice %transpose3A {offsets = [0, 2], sizes = [128, 1], strides = [1, 1]} : vector<128x16xf32> to vector<128x1xf32>
    %mul3A_30 = vector.broadcast %slice3A_29 : vector<128x1xf32> to vector<128x16xf32>
    %mul3A_31 = arith.mulf %slice3A_28, %mul3A_30 : vector<128x16xf32>
    %slice3A_32 = vector.extract_strided_slice %add3A_9 {offsets = [384, 0], sizes = [128, 16], strides = [1, 1]} : vector<2048x16xf32> to vector<128x16xf32>
    %slice3A_33 = vector.extract_strided_slice %transpose3A {offsets = [0, 3], sizes = [128, 1], strides = [1, 1]} : vector<128x16xf32> to vector<128x1xf32>
    %mul3A_34 = vector.broadcast %slice3A_33 : vector<128x1xf32> to vector<128x16xf32>
    %mul3A_35 = arith.mulf %slice3A_32, %mul3A_34 : vector<128x16xf32>
    %slice3A_36 = vector.extract_strided_slice %add3A_9 {offsets = [512, 0], sizes = [128, 16], strides = [1, 1]} : vector<2048x16xf32> to vector<128x16xf32>
    %slice3A_37 = vector.extract_strided_slice %transpose3A {offsets = [0, 4], sizes = [128, 1], strides = [1, 1]} : vector<128x16xf32> to vector<128x1xf32>
    %mul3A_38 = vector.broadcast %slice3A_37 : vector<128x1xf32> to vector<128x16xf32>
    %mul3A_39 = arith.mulf %slice3A_36, %mul3A_38 : vector<128x16xf32>
    %slice3A_40 = vector.extract_strided_slice %add3A_9 {offsets = [640, 0], sizes = [128, 16], strides = [1, 1]} : vector<2048x16xf32> to vector<128x16xf32>
    %slice3A_41 = vector.extract_strided_slice %transpose3A {offsets = [0, 5], sizes = [128, 1], strides = [1, 1]} : vector<128x16xf32> to vector<128x1xf32>
    %mul3A_42 = vector.broadcast %slice3A_41 : vector<128x1xf32> to vector<128x16xf32>
    %mul3A_43 = arith.mulf %slice3A_40, %mul3A_42 : vector<128x16xf32>
    %slice3A_44 = vector.extract_strided_slice %add3A_9 {offsets = [768, 0], sizes = [128, 16], strides = [1, 1]} : vector<2048x16xf32> to vector<128x16xf32>
    %slice3A_45 = vector.extract_strided_slice %transpose3A {offsets = [0, 6], sizes = [128, 1], strides = [1, 1]} : vector<128x16xf32> to vector<128x1xf32>
    %mul3A_46 = vector.broadcast %slice3A_45 : vector<128x1xf32> to vector<128x16xf32>
    %mul3A_47 = arith.mulf %slice3A_44, %mul3A_46 : vector<128x16xf32>
    %slice3A_48 = vector.extract_strided_slice %add3A_9 {offsets = [896, 0], sizes = [128, 16], strides = [1, 1]} : vector<2048x16xf32> to vector<128x16xf32>
    %slice3A_49 = vector.extract_strided_slice %transpose3A {offsets = [0, 7], sizes = [128, 1], strides = [1, 1]} : vector<128x16xf32> to vector<128x1xf32>
    %mul3A_50 = vector.broadcast %slice3A_49 : vector<128x1xf32> to vector<128x16xf32>
    %mul3A_51 = arith.mulf %slice3A_48, %mul3A_50 : vector<128x16xf32>
    %slice3A_52 = vector.extract_strided_slice %add3A_9 {offsets = [1024, 0], sizes = [128, 16], strides = [1, 1]} : vector<2048x16xf32> to vector<128x16xf32>
    %slice3A_53 = vector.extract_strided_slice %transpose3A {offsets = [0, 8], sizes = [128, 1], strides = [1, 1]} : vector<128x16xf32> to vector<128x1xf32>
    %mul3A_54 = vector.broadcast %slice3A_53 : vector<128x1xf32> to vector<128x16xf32>
    %mul3A_55 = arith.mulf %slice3A_52, %mul3A_54 : vector<128x16xf32>
    %slice3A_56 = vector.extract_strided_slice %add3A_9 {offsets = [1152, 0], sizes = [128, 16], strides = [1, 1]} : vector<2048x16xf32> to vector<128x16xf32>
    %slice3A_57 = vector.extract_strided_slice %transpose3A {offsets = [0, 9], sizes = [128, 1], strides = [1, 1]} : vector<128x16xf32> to vector<128x1xf32>
    %mul3A_58 = vector.broadcast %slice3A_57 : vector<128x1xf32> to vector<128x16xf32>
    %mul3A_59 = arith.mulf %slice3A_56, %mul3A_58 : vector<128x16xf32>
    %slice3A_60 = vector.extract_strided_slice %add3A_9 {offsets = [1280, 0], sizes = [128, 16], strides = [1, 1]} : vector<2048x16xf32> to vector<128x16xf32>
    %slice3A_61 = vector.extract_strided_slice %transpose3A {offsets = [0, 10], sizes = [128, 1], strides = [1, 1]} : vector<128x16xf32> to vector<128x1xf32>
    %mul3A_62 = vector.broadcast %slice3A_61 : vector<128x1xf32> to vector<128x16xf32>
    %mul3A_63 = arith.mulf %slice3A_60, %mul3A_62 : vector<128x16xf32>
    %slice3A_64 = vector.extract_strided_slice %add3A_9 {offsets = [1408, 0], sizes = [128, 16], strides = [1, 1]} : vector<2048x16xf32> to vector<128x16xf32>
    %slice3A_65 = vector.extract_strided_slice %transpose3A {offsets = [0, 11], sizes = [128, 1], strides = [1, 1]} : vector<128x16xf32> to vector<128x1xf32>
    %mul3A_66 = vector.broadcast %slice3A_65 : vector<128x1xf32> to vector<128x16xf32>
    %mul3A_67 = arith.mulf %slice3A_64, %mul3A_66 : vector<128x16xf32>
    %slice3A_68 = vector.extract_strided_slice %add3A_9 {offsets = [1536, 0], sizes = [128, 16], strides = [1, 1]} : vector<2048x16xf32> to vector<128x16xf32>
    %slice3A_69 = vector.extract_strided_slice %transpose3A {offsets = [0, 12], sizes = [128, 1], strides = [1, 1]} : vector<128x16xf32> to vector<128x1xf32>
    %mul3A_70 = vector.broadcast %slice3A_69 : vector<128x1xf32> to vector<128x16xf32>
    %mul3A_71 = arith.mulf %slice3A_68, %mul3A_70 : vector<128x16xf32>
    %slice3A_72 = vector.extract_strided_slice %add3A_9 {offsets = [1664, 0], sizes = [128, 16], strides = [1, 1]} : vector<2048x16xf32> to vector<128x16xf32>
    %slice3A_73 = vector.extract_strided_slice %transpose3A {offsets = [0, 13], sizes = [128, 1], strides = [1, 1]} : vector<128x16xf32> to vector<128x1xf32>
    %mul3A_74 = vector.broadcast %slice3A_73 : vector<128x1xf32> to vector<128x16xf32>
    %mul3A_75 = arith.mulf %slice3A_72, %mul3A_74 : vector<128x16xf32>
    %slice3A_76 = vector.extract_strided_slice %add3A_9 {offsets = [1792, 0], sizes = [128, 16], strides = [1, 1]} : vector<2048x16xf32> to vector<128x16xf32>
    %slice3A_77 = vector.extract_strided_slice %transpose3A {offsets = [0, 14], sizes = [128, 1], strides = [1, 1]} : vector<128x16xf32> to vector<128x1xf32>
    %mul3A_78 = vector.broadcast %slice3A_77 : vector<128x1xf32> to vector<128x16xf32>
    %mul3A_79 = arith.mulf %slice3A_76, %mul3A_78 : vector<128x16xf32>
    %slice3A_80 = vector.extract_strided_slice %add3A_9 {offsets = [1920, 0], sizes = [128, 16], strides = [1, 1]} : vector<2048x16xf32> to vector<128x16xf32>
    %slice3A_81 = vector.extract_strided_slice %transpose3A {offsets = [0, 15], sizes = [128, 1], strides = [1, 1]} : vector<128x16xf32> to vector<128x1xf32>
    %mul3A_82 = vector.broadcast %slice3A_81 : vector<128x1xf32> to vector<128x16xf32>
    %mul3A_83 = arith.mulf %slice3A_80, %mul3A_82 : vector<128x16xf32>
    %concatenate3A = tpu.concatenate %mul3A_23, %mul3A_27, %mul3A_31, %mul3A_35, %mul3A_39, %mul3A_43, %mul3A_47, %mul3A_51, %mul3A_55, %mul3A_59, %mul3A_63, %mul3A_67, %mul3A_71, %mul3A_75, %mul3A_79, %mul3A_83 in 0 : vector<128x16xf32>, vector<128x16xf32>, vector<128x16xf32>, vector<128x16xf32>, vector<128x16xf32>, vector<128x16xf32>, vector<128x16xf32>, vector<128x16xf32>, vector<128x16xf32>, vector<128x16xf32>, vector<128x16xf32>, vector<128x16xf32>, vector<128x16xf32>, vector<128x16xf32>, vector<128x16xf32>, vector<128x16xf32> -> vector<2048x16xf32>
    %reshape3A = vector.shape_cast %concatenate3A : vector<2048x16xf32> to vector<256x8x16xf32>
    %slice3A_84 = vector.extract_strided_slice %reshape3A {offsets = [0, 0, 0], sizes = [256, 1, 16], strides = [1, 1, 1]} : vector<256x8x16xf32> to vector<256x1x16xf32>
    %squeeze3A = vector.shape_cast %slice3A_84 : vector<256x1x16xf32> to vector<256x16xf32>
    %slice3A_85 = vector.extract_strided_slice %reshape3A {offsets = [0, 1, 0], sizes = [256, 1, 16], strides = [1, 1, 1]} : vector<256x8x16xf32> to vector<256x1x16xf32>
    %squeeze3A_86 = vector.shape_cast %slice3A_85 : vector<256x1x16xf32> to vector<256x16xf32>
    %slice3A_87 = vector.extract_strided_slice %reshape3A {offsets = [0, 2, 0], sizes = [256, 1, 16], strides = [1, 1, 1]} : vector<256x8x16xf32> to vector<256x1x16xf32>
    %squeeze3A_88 = vector.shape_cast %slice3A_87 : vector<256x1x16xf32> to vector<256x16xf32>
    %slice3A_89 = vector.extract_strided_slice %reshape3A {offsets = [0, 3, 0], sizes = [256, 1, 16], strides = [1, 1, 1]} : vector<256x8x16xf32> to vector<256x1x16xf32>
    %squeeze3A_90 = vector.shape_cast %slice3A_89 : vector<256x1x16xf32> to vector<256x16xf32>
    %slice3A_91 = vector.extract_strided_slice %reshape3A {offsets = [0, 4, 0], sizes = [256, 1, 16], strides = [1, 1, 1]} : vector<256x8x16xf32> to vector<256x1x16xf32>
    %squeeze3A_92 = vector.shape_cast %slice3A_91 : vector<256x1x16xf32> to vector<256x16xf32>
    %slice3A_93 = vector.extract_strided_slice %reshape3A {offsets = [0, 5, 0], sizes = [256, 1, 16], strides = [1, 1, 1]} : vector<256x8x16xf32> to vector<256x1x16xf32>
    %squeeze3A_94 = vector.shape_cast %slice3A_93 : vector<256x1x16xf32> to vector<256x16xf32>
    %slice3A_95 = vector.extract_strided_slice %reshape3A {offsets = [0, 6, 0], sizes = [256, 1, 16], strides = [1, 1, 1]} : vector<256x8x16xf32> to vector<256x1x16xf32>
    %squeeze3A_96 = vector.shape_cast %slice3A_95 : vector<256x1x16xf32> to vector<256x16xf32>
    %slice3A_97 = vector.extract_strided_slice %reshape3A {offsets = [0, 7, 0], sizes = [256, 1, 16], strides = [1, 1, 1]} : vector<256x8x16xf32> to vector<256x1x16xf32>
    %squeeze3A_98 = vector.shape_cast %slice3A_97 : vector<256x1x16xf32> to vector<256x16xf32>
    %concatenate3A_99 = tpu.concatenate %squeeze3A, %squeeze3A_86, %squeeze3A_88, %squeeze3A_90, %squeeze3A_92, %squeeze3A_94, %squeeze3A_96, %squeeze3A_98 in 1 : vector<256x16xf32>, vector<256x16xf32>, vector<256x16xf32>, vector<256x16xf32>, vector<256x16xf32>, vector<256x16xf32>, vector<256x16xf32>, vector<256x16xf32> -> vector<256x128xf32>
    %swap3A_100 = arith.constant 0 : index
    %swap3A_101 = arith.constant 0 : index
    %swap3A_102 = vector.load %arg6[%swap3A_100, %swap3A_101] : memref<256x128xf32, #tpu.memory_space<vmem>>, vector<256x128xf32>
    tpu.vector_store %arg6[%swap3A_100, %swap3A_101], %concatenate3A_99 {strides = array<i32>} : memref<256x128xf32, #tpu.memory_space<vmem>>, vector<256x128xf32>,
    return
  }
  func.func @transform_0(%arg0: i32) -> (i32, i32) {
    %c0_i32 = arith.constant 0 : i32
    %c0_i32_0 = arith.constant 0 : i32
    return %arg0, %c0_i32 : i32, i32
  }
  func.func @transform_1(%arg0: i32) -> (i32, i32) {
    %c0_i32 = arith.constant 0 : i32
    %c0_i32_0 = arith.constant 0 : i32
    %c0_i32_1 = arith.constant 0 : i32
    return %c0_i32, %c0_i32_0 : i32, i32
  }
  func.func @transform_2(%arg0: i32) -> (i32, i32) {
    %c0_i32 = arith.constant 0 : i32
    %c0_i32_0 = arith.constant 0 : i32
    %c0_i32_1 = arith.constant 0 : i32
    return %c0_i32, %c0_i32_0 : i32, i32
  }
  func.func @transform_3(%arg0: i32) -> (i32, i32) {
    %c0_i32 = arith.constant 0 : i32
    %c0_i32_0 = arith.constant 0 : i32
    return %arg0, %c0_i32 : i32, i32
  }
  func.func @transform_4(%arg0: i32) -> (i32, i32) {
    %add3A = arith.constant 49 : i32
    %add3A_0 = arith.addi %add3A, %arg0 : i32
    %c0_i32 = arith.constant 0 : i32
    %c0_i32_1 = arith.constant 0 : i32
    return %add3A_0, %c0_i32 : i32, i32
  }
  func.func @transform_5(%arg0: i32) -> (i32, i32) {
    %c0_i32 = arith.constant 0 : i32
    %c0_i32_0 = arith.constant 0 : i32
    return %arg0, %c0_i32 : i32, i32
  }
  func.func @transform_6(%arg0: i32) -> (i32, i32) {
    %c0_i32 = arith.constant 0 : i32
    %c0_i32_0 = arith.constant 0 : i32
    return %arg0, %c0_i32 : i32, i32
  }
}

module attributes {stable_mosaic.version = 14 : i64} {
  func.func @out_body(%arg0: i32, %arg1: memref<256x128xf32, #tpu.memory_space<vmem>>, %arg2: memref<256x128xf32, #tpu.memory_space<vmem>>, %arg3: memref<256x128xf32, #tpu.memory_space<vmem>>, %arg4: memref<16x128xf32, #tpu.memory_space<vmem>>, %arg5: memref<16x128xf32, #tpu.memory_space<vmem>>, %arg6: memref<1024x16xf32, #tpu.memory_space<vmem>>, %arg7: memref<2048x16xf32, #tpu.memory_space<vmem>>) attributes {dimension_semantics = [#tpu.dimension_semantics<arbitrary>], iteration_bounds = array<i64: 49>, scalar_prefetch = 0 : i64, scratch_operands = 0 : i64, tpu.core_type = #tpu.core_type<tc>, window_params = [{transform_indices = @transform_0, window_bounds = array<i64: 256, 128>}, {transform_indices = @transform_1, window_bounds = array<i64: 256, 128>}, {transform_indices = @transform_2, window_bounds = array<i64: 256, 128>}, {transform_indices = @transform_3, window_bounds = array<i64: 16, 128>}, {transform_indices = @transform_4, window_bounds = array<i64: 16, 128>}, {pipeline_mode = #tpu.pipeline_mode<synchronous>, transform_indices = @transform_5, window_bounds = array<i64: 1024, 16>}, {transform_indices = @transform_6, window_bounds = array<i64: 2048, 16>}]} {
    %get3A = arith.constant 0 : index
    %get3A_0 = arith.constant 0 : index
    %get3A_1 = vector.load %arg1[%get3A, %get3A_0] : memref<256x128xf32, #tpu.memory_space<vmem>>, vector<256x128xf32>
    %get3A_2 = arith.constant 0 : index
    %get3A_3 = arith.constant 0 : index
    %get3A_4 = vector.load %arg2[%get3A_2, %get3A_3] : memref<256x128xf32, #tpu.memory_space<vmem>>, vector<256x128xf32>
    %add3A = arith.addf %get3A_1, %get3A_4 : vector<256x128xf32>
    %get3A_5 = arith.constant 0 : index
    %get3A_6 = arith.constant 0 : index
    %get3A_7 = vector.load %arg3[%get3A_5, %get3A_6] : memref<256x128xf32, #tpu.memory_space<vmem>>, vector<256x128xf32>
    %add3A_8 = arith.addf %add3A, %get3A_7 : vector<256x128xf32>
    %broadcast_in_dim3A = vector.shape_cast %add3A_8 : vector<256x128xf32> to vector<256x1x128xf32>
    %broadcast_in_dim3A_9 = vector.shape_cast %broadcast_in_dim3A : vector<256x1x128xf32> to vector<256x1x128xf32>
    %broadcast_in_dim3A_10 = vector.broadcast %broadcast_in_dim3A_9 : vector<256x1x128xf32> to vector<256x8x128xf32>
    %reshape3A = vector.shape_cast %broadcast_in_dim3A_10 : vector<256x8x128xf32> to vector<2048x128xf32>
    %iota3A = tpu.iota {dimensions = array<i32: 0>} : vector<2048x1xi32>
    %jit3A = arith.constant 8 : i32
    %eq3A = arith.constant 0 : i32
    %eq3A_11 = arith.cmpi eq, %jit3A, %eq3A : i32
    %jit3A_12 = arith.constant 1 : i32
    %select_n3A = arith.select %eq3A_11, %jit3A_12, %jit3A : i32
    %rem3A = vector.broadcast %select_n3A : i32 to vector<2048x1xi32>
    %rem3A_13 = arith.remsi %iota3A, %rem3A : vector<2048x1xi32>
    %ne3A = arith.constant 0 : i32
    %ne3A_14 = vector.broadcast %ne3A : i32 to vector<2048x1xi32>
    %ne3A_15 = arith.cmpi ne, %rem3A_13, %ne3A_14 : vector<2048x1xi32>
    %lt3A = arith.constant 0 : i32
    %lt3A_16 = vector.broadcast %lt3A : i32 to vector<2048x1xi32>
    %lt3A_17 = arith.cmpi slt, %rem3A_13, %lt3A_16 : vector<2048x1xi32>
    %lt3A_18 = arith.constant 0 : i32
    %lt3A_19 = arith.cmpi slt, %select_n3A, %lt3A_18 : i32
    %ne3A_20 = vector.broadcast %lt3A_19 : i1 to vector<2048x1xi1>
    %ne3A_21 = vector.broadcast %ne3A_20 : vector<2048x1xi1> to vector<2048x1xi1>
    %ne3A_22 = arith.xori %lt3A_17, %ne3A_21 : vector<2048x1xi1>
    %and3A = arith.andi %ne3A_22, %ne3A_15 : vector<2048x1xi1>
    %add3A_23 = vector.broadcast %select_n3A : i32 to vector<2048x1xi32>
    %add3A_24 = arith.addi %rem3A_13, %add3A_23 : vector<2048x1xi32>
    %select_n3A_25 = arith.select %and3A, %add3A_24, %rem3A_13 : vector<2048x1xi1>, vector<2048x1xi32>
    %get3A_26 = arith.constant 0 : index
    %get3A_27 = arith.constant 0 : index
    %get3A_28 = vector.load %arg6[%get3A_26, %get3A_27] : memref<1024x16xf32, #tpu.memory_space<vmem>>, vector<1024x16xf32>
    %broadcast_in_dim3A_29 = arith.constant 0.000000e+00 : f32
    %broadcast_in_dim3A_30 = vector.broadcast %broadcast_in_dim3A_29 : f32 to vector<2048x16xf32>
    %slice3A = vector.extract_strided_slice %get3A_28 {offsets = [0, 0], sizes = [128, 16], strides = [1, 1]} : vector<1024x16xf32> to vector<128x16xf32>
    %dot_general3A = arith.constant dense<0.000000e+00> : vector<2048x16xf32>
    %dot_general3A_31 = tpu.matmul %reshape3A, %slice3A, %dot_general3A {dimension_numbers = #tpu.dot_dimension_numbers<[1], [0], [0], [1], [0, 0, 1, 1], [], []>, transpose_lhs_hint = false} : vector<2048x128xf32>, vector<128x16xf32>, vector<2048x16xf32> -> vector<2048x16xf32>
    %eq3A_32 = arith.constant 0 : i32
    %eq3A_33 = vector.broadcast %eq3A_32 : i32 to vector<2048x1xi32>
    %eq3A_34 = arith.cmpi eq, %select_n3A_25, %eq3A_33 : vector<2048x1xi32>
    %broadcast_in_dim3A_35 = vector.shape_cast %eq3A_34 : vector<2048x1xi1> to vector<2048x1xi1>
    %broadcast_in_dim3A_36 = vector.broadcast %broadcast_in_dim3A_35 : vector<2048x1xi1> to vector<2048x16xi1>
    %select_n3A_37 = arith.select %broadcast_in_dim3A_36, %dot_general3A_31, %broadcast_in_dim3A_30 : vector<2048x16xi1>, vector<2048x16xf32>
    %slice3A_38 = vector.extract_strided_slice %get3A_28 {offsets = [128, 0], sizes = [128, 16], strides = [1, 1]} : vector<1024x16xf32> to vector<128x16xf32>
    %dot_general3A_39 = arith.constant dense<0.000000e+00> : vector<2048x16xf32>
    %dot_general3A_40 = tpu.matmul %reshape3A, %slice3A_38, %dot_general3A_39 {dimension_numbers = #tpu.dot_dimension_numbers<[1], [0], [0], [1], [0, 0, 1, 1], [], []>, transpose_lhs_hint = false} : vector<2048x128xf32>, vector<128x16xf32>, vector<2048x16xf32> -> vector<2048x16xf32>
    %eq3A_41 = arith.constant 1 : i32
    %eq3A_42 = vector.broadcast %eq3A_41 : i32 to vector<2048x1xi32>
    %eq3A_43 = arith.cmpi eq, %select_n3A_25, %eq3A_42 : vector<2048x1xi32>
    %broadcast_in_dim3A_44 = vector.shape_cast %eq3A_43 : vector<2048x1xi1> to vector<2048x1xi1>
    %broadcast_in_dim3A_45 = vector.broadcast %broadcast_in_dim3A_44 : vector<2048x1xi1> to vector<2048x16xi1>
    %select_n3A_46 = arith.select %broadcast_in_dim3A_45, %dot_general3A_40, %select_n3A_37 : vector<2048x16xi1>, vector<2048x16xf32>
    %slice3A_47 = vector.extract_strided_slice %get3A_28 {offsets = [256, 0], sizes = [128, 16], strides = [1, 1]} : vector<1024x16xf32> to vector<128x16xf32>
    %dot_general3A_48 = arith.constant dense<0.000000e+00> : vector<2048x16xf32>
    %dot_general3A_49 = tpu.matmul %reshape3A, %slice3A_47, %dot_general3A_48 {dimension_numbers = #tpu.dot_dimension_numbers<[1], [0], [0], [1], [0, 0, 1, 1], [], []>, transpose_lhs_hint = false} : vector<2048x128xf32>, vector<128x16xf32>, vector<2048x16xf32> -> vector<2048x16xf32>
    %eq3A_50 = arith.constant 2 : i32
    %eq3A_51 = vector.broadcast %eq3A_50 : i32 to vector<2048x1xi32>
    %eq3A_52 = arith.cmpi eq, %select_n3A_25, %eq3A_51 : vector<2048x1xi32>
    %broadcast_in_dim3A_53 = vector.shape_cast %eq3A_52 : vector<2048x1xi1> to vector<2048x1xi1>
    %broadcast_in_dim3A_54 = vector.broadcast %broadcast_in_dim3A_53 : vector<2048x1xi1> to vector<2048x16xi1>
    %select_n3A_55 = arith.select %broadcast_in_dim3A_54, %dot_general3A_49, %select_n3A_46 : vector<2048x16xi1>, vector<2048x16xf32>
    %slice3A_56 = vector.extract_strided_slice %get3A_28 {offsets = [384, 0], sizes = [128, 16], strides = [1, 1]} : vector<1024x16xf32> to vector<128x16xf32>
    %dot_general3A_57 = arith.constant dense<0.000000e+00> : vector<2048x16xf32>
    %dot_general3A_58 = tpu.matmul %reshape3A, %slice3A_56, %dot_general3A_57 {dimension_numbers = #tpu.dot_dimension_numbers<[1], [0], [0], [1], [0, 0, 1, 1], [], []>, transpose_lhs_hint = false} : vector<2048x128xf32>, vector<128x16xf32>, vector<2048x16xf32> -> vector<2048x16xf32>
    %eq3A_59 = arith.constant 3 : i32
    %eq3A_60 = vector.broadcast %eq3A_59 : i32 to vector<2048x1xi32>
    %eq3A_61 = arith.cmpi eq, %select_n3A_25, %eq3A_60 : vector<2048x1xi32>
    %broadcast_in_dim3A_62 = vector.shape_cast %eq3A_61 : vector<2048x1xi1> to vector<2048x1xi1>
    %broadcast_in_dim3A_63 = vector.broadcast %broadcast_in_dim3A_62 : vector<2048x1xi1> to vector<2048x16xi1>
    %select_n3A_64 = arith.select %broadcast_in_dim3A_63, %dot_general3A_58, %select_n3A_55 : vector<2048x16xi1>, vector<2048x16xf32>
    %slice3A_65 = vector.extract_strided_slice %get3A_28 {offsets = [512, 0], sizes = [128, 16], strides = [1, 1]} : vector<1024x16xf32> to vector<128x16xf32>
    %dot_general3A_66 = arith.constant dense<0.000000e+00> : vector<2048x16xf32>
    %dot_general3A_67 = tpu.matmul %reshape3A, %slice3A_65, %dot_general3A_66 {dimension_numbers = #tpu.dot_dimension_numbers<[1], [0], [0], [1], [0, 0, 1, 1], [], []>, transpose_lhs_hint = false} : vector<2048x128xf32>, vector<128x16xf32>, vector<2048x16xf32> -> vector<2048x16xf32>
    %eq3A_68 = arith.constant 4 : i32
    %eq3A_69 = vector.broadcast %eq3A_68 : i32 to vector<2048x1xi32>
    %eq3A_70 = arith.cmpi eq, %select_n3A_25, %eq3A_69 : vector<2048x1xi32>
    %broadcast_in_dim3A_71 = vector.shape_cast %eq3A_70 : vector<2048x1xi1> to vector<2048x1xi1>
    %broadcast_in_dim3A_72 = vector.broadcast %broadcast_in_dim3A_71 : vector<2048x1xi1> to vector<2048x16xi1>
    %select_n3A_73 = arith.select %broadcast_in_dim3A_72, %dot_general3A_67, %select_n3A_64 : vector<2048x16xi1>, vector<2048x16xf32>
    %slice3A_74 = vector.extract_strided_slice %get3A_28 {offsets = [640, 0], sizes = [128, 16], strides = [1, 1]} : vector<1024x16xf32> to vector<128x16xf32>
    %dot_general3A_75 = arith.constant dense<0.000000e+00> : vector<2048x16xf32>
    %dot_general3A_76 = tpu.matmul %reshape3A, %slice3A_74, %dot_general3A_75 {dimension_numbers = #tpu.dot_dimension_numbers<[1], [0], [0], [1], [0, 0, 1, 1], [], []>, transpose_lhs_hint = false} : vector<2048x128xf32>, vector<128x16xf32>, vector<2048x16xf32> -> vector<2048x16xf32>
    %eq3A_77 = arith.constant 5 : i32
    %eq3A_78 = vector.broadcast %eq3A_77 : i32 to vector<2048x1xi32>
    %eq3A_79 = arith.cmpi eq, %select_n3A_25, %eq3A_78 : vector<2048x1xi32>
    %broadcast_in_dim3A_80 = vector.shape_cast %eq3A_79 : vector<2048x1xi1> to vector<2048x1xi1>
    %broadcast_in_dim3A_81 = vector.broadcast %broadcast_in_dim3A_80 : vector<2048x1xi1> to vector<2048x16xi1>
    %select_n3A_82 = arith.select %broadcast_in_dim3A_81, %dot_general3A_76, %select_n3A_73 : vector<2048x16xi1>, vector<2048x16xf32>
    %slice3A_83 = vector.extract_strided_slice %get3A_28 {offsets = [768, 0], sizes = [128, 16], strides = [1, 1]} : vector<1024x16xf32> to vector<128x16xf32>
    %dot_general3A_84 = arith.constant dense<0.000000e+00> : vector<2048x16xf32>
    %dot_general3A_85 = tpu.matmul %reshape3A, %slice3A_83, %dot_general3A_84 {dimension_numbers = #tpu.dot_dimension_numbers<[1], [0], [0], [1], [0, 0, 1, 1], [], []>, transpose_lhs_hint = false} : vector<2048x128xf32>, vector<128x16xf32>, vector<2048x16xf32> -> vector<2048x16xf32>
    %eq3A_86 = arith.constant 6 : i32
    %eq3A_87 = vector.broadcast %eq3A_86 : i32 to vector<2048x1xi32>
    %eq3A_88 = arith.cmpi eq, %select_n3A_25, %eq3A_87 : vector<2048x1xi32>
    %broadcast_in_dim3A_89 = vector.shape_cast %eq3A_88 : vector<2048x1xi1> to vector<2048x1xi1>
    %broadcast_in_dim3A_90 = vector.broadcast %broadcast_in_dim3A_89 : vector<2048x1xi1> to vector<2048x16xi1>
    %select_n3A_91 = arith.select %broadcast_in_dim3A_90, %dot_general3A_85, %select_n3A_82 : vector<2048x16xi1>, vector<2048x16xf32>
    %slice3A_92 = vector.extract_strided_slice %get3A_28 {offsets = [896, 0], sizes = [128, 16], strides = [1, 1]} : vector<1024x16xf32> to vector<128x16xf32>
    %dot_general3A_93 = arith.constant dense<0.000000e+00> : vector<2048x16xf32>
    %dot_general3A_94 = tpu.matmul %reshape3A, %slice3A_92, %dot_general3A_93 {dimension_numbers = #tpu.dot_dimension_numbers<[1], [0], [0], [1], [0, 0, 1, 1], [], []>, transpose_lhs_hint = false} : vector<2048x128xf32>, vector<128x16xf32>, vector<2048x16xf32> -> vector<2048x16xf32>
    %eq3A_95 = arith.constant 7 : i32
    %eq3A_96 = vector.broadcast %eq3A_95 : i32 to vector<2048x1xi32>
    %eq3A_97 = arith.cmpi eq, %select_n3A_25, %eq3A_96 : vector<2048x1xi32>
    %broadcast_in_dim3A_98 = vector.shape_cast %eq3A_97 : vector<2048x1xi1> to vector<2048x1xi1>
    %broadcast_in_dim3A_99 = vector.broadcast %broadcast_in_dim3A_98 : vector<2048x1xi1> to vector<2048x16xi1>
    %select_n3A_100 = arith.select %broadcast_in_dim3A_99, %dot_general3A_94, %select_n3A_91 : vector<2048x16xi1>, vector<2048x16xf32>
    %get3A_101 = arith.constant 0 : index
    %get3A_102 = arith.constant 0 : index
    %get3A_103 = vector.load %arg4[%get3A_101, %get3A_102] : memref<16x128xf32, #tpu.memory_space<vmem>>, vector<16x128xf32>
    %add3A_104 = arith.constant 1.000000e+00 : f32
    %add3A_105 = vector.broadcast %add3A_104 : f32 to vector<16x128xf32>
    %add3A_106 = arith.addf %add3A_105, %get3A_103 : vector<16x128xf32>
    %get3A_107 = arith.constant 0 : index
    %get3A_108 = arith.constant 0 : index
    %get3A_109 = vector.load %arg5[%get3A_107, %get3A_108] : memref<16x128xf32, #tpu.memory_space<vmem>>, vector<16x128xf32>
    %add3A_110 = arith.addf %add3A_106, %get3A_109 : vector<16x128xf32>
    %rsqrt3A = math.rsqrt %add3A_110 : vector<16x128xf32>
    %transpose3A = tpu.transpose %rsqrt3A, [1, 0] : vector<16x128xf32> -> vector<128x16xf32>
    %slice3A_111 = vector.extract_strided_slice %select_n3A_100 {offsets = [0, 0], sizes = [128, 16], strides = [1, 1]} : vector<2048x16xf32> to vector<128x16xf32>
    %slice3A_112 = vector.extract_strided_slice %transpose3A {offsets = [0, 0], sizes = [128, 1], strides = [1, 1]} : vector<128x16xf32> to vector<128x1xf32>
    %mul3A = vector.broadcast %slice3A_112 : vector<128x1xf32> to vector<128x16xf32>
    %mul3A_113 = arith.mulf %slice3A_111, %mul3A : vector<128x16xf32>
    %max3A = arith.constant 0.000000e+00 : f32
    %max3A_114 = vector.broadcast %max3A : f32 to vector<128x16xf32>
    %max3A_115 = arith.maximumf %mul3A_113, %max3A_114 : vector<128x16xf32>
    %swap3A = arith.constant 0 : index
    %swap3A_116 = arith.constant 0 : index
    %swap3A_117 = vector.load %arg7[%swap3A, %swap3A_116] : memref<2048x16xf32, #tpu.memory_space<vmem>>, vector<128x16xf32>
    tpu.vector_store %arg7[%swap3A, %swap3A_116], %max3A_115 {strides = array<i32>} : memref<2048x16xf32, #tpu.memory_space<vmem>>, vector<128x16xf32>,
    %slice3A_118 = vector.extract_strided_slice %select_n3A_100 {offsets = [128, 0], sizes = [128, 16], strides = [1, 1]} : vector<2048x16xf32> to vector<128x16xf32>
    %slice3A_119 = vector.extract_strided_slice %transpose3A {offsets = [0, 1], sizes = [128, 1], strides = [1, 1]} : vector<128x16xf32> to vector<128x1xf32>
    %mul3A_120 = vector.broadcast %slice3A_119 : vector<128x1xf32> to vector<128x16xf32>
    %mul3A_121 = arith.mulf %slice3A_118, %mul3A_120 : vector<128x16xf32>
    %max3A_122 = arith.constant 0.000000e+00 : f32
    %max3A_123 = vector.broadcast %max3A_122 : f32 to vector<128x16xf32>
    %max3A_124 = arith.maximumf %mul3A_121, %max3A_123 : vector<128x16xf32>
    %swap3A_125 = arith.constant 128 : index
    %swap3A_126 = arith.constant 0 : index
    %swap3A_127 = vector.load %arg7[%swap3A_125, %swap3A_126] : memref<2048x16xf32, #tpu.memory_space<vmem>>, vector<128x16xf32>
    tpu.vector_store %arg7[%swap3A_125, %swap3A_126], %max3A_124 {strides = array<i32>} : memref<2048x16xf32, #tpu.memory_space<vmem>>, vector<128x16xf32>,
    %slice3A_128 = vector.extract_strided_slice %select_n3A_100 {offsets = [256, 0], sizes = [128, 16], strides = [1, 1]} : vector<2048x16xf32> to vector<128x16xf32>
    %slice3A_129 = vector.extract_strided_slice %transpose3A {offsets = [0, 2], sizes = [128, 1], strides = [1, 1]} : vector<128x16xf32> to vector<128x1xf32>
    %mul3A_130 = vector.broadcast %slice3A_129 : vector<128x1xf32> to vector<128x16xf32>
    %mul3A_131 = arith.mulf %slice3A_128, %mul3A_130 : vector<128x16xf32>
    %max3A_132 = arith.constant 0.000000e+00 : f32
    %max3A_133 = vector.broadcast %max3A_132 : f32 to vector<128x16xf32>
    %max3A_134 = arith.maximumf %mul3A_131, %max3A_133 : vector<128x16xf32>
    %swap3A_135 = arith.constant 256 : index
    %swap3A_136 = arith.constant 0 : index
    %swap3A_137 = vector.load %arg7[%swap3A_135, %swap3A_136] : memref<2048x16xf32, #tpu.memory_space<vmem>>, vector<128x16xf32>
    tpu.vector_store %arg7[%swap3A_135, %swap3A_136], %max3A_134 {strides = array<i32>} : memref<2048x16xf32, #tpu.memory_space<vmem>>, vector<128x16xf32>,
    %slice3A_138 = vector.extract_strided_slice %select_n3A_100 {offsets = [384, 0], sizes = [128, 16], strides = [1, 1]} : vector<2048x16xf32> to vector<128x16xf32>
    %slice3A_139 = vector.extract_strided_slice %transpose3A {offsets = [0, 3], sizes = [128, 1], strides = [1, 1]} : vector<128x16xf32> to vector<128x1xf32>
    %mul3A_140 = vector.broadcast %slice3A_139 : vector<128x1xf32> to vector<128x16xf32>
    %mul3A_141 = arith.mulf %slice3A_138, %mul3A_140 : vector<128x16xf32>
    %max3A_142 = arith.constant 0.000000e+00 : f32
    %max3A_143 = vector.broadcast %max3A_142 : f32 to vector<128x16xf32>
    %max3A_144 = arith.maximumf %mul3A_141, %max3A_143 : vector<128x16xf32>
    %swap3A_145 = arith.constant 384 : index
    %swap3A_146 = arith.constant 0 : index
    %swap3A_147 = vector.load %arg7[%swap3A_145, %swap3A_146] : memref<2048x16xf32, #tpu.memory_space<vmem>>, vector<128x16xf32>
    tpu.vector_store %arg7[%swap3A_145, %swap3A_146], %max3A_144 {strides = array<i32>} : memref<2048x16xf32, #tpu.memory_space<vmem>>, vector<128x16xf32>,
    %slice3A_148 = vector.extract_strided_slice %select_n3A_100 {offsets = [512, 0], sizes = [128, 16], strides = [1, 1]} : vector<2048x16xf32> to vector<128x16xf32>
    %slice3A_149 = vector.extract_strided_slice %transpose3A {offsets = [0, 4], sizes = [128, 1], strides = [1, 1]} : vector<128x16xf32> to vector<128x1xf32>
    %mul3A_150 = vector.broadcast %slice3A_149 : vector<128x1xf32> to vector<128x16xf32>
    %mul3A_151 = arith.mulf %slice3A_148, %mul3A_150 : vector<128x16xf32>
    %max3A_152 = arith.constant 0.000000e+00 : f32
    %max3A_153 = vector.broadcast %max3A_152 : f32 to vector<128x16xf32>
    %max3A_154 = arith.maximumf %mul3A_151, %max3A_153 : vector<128x16xf32>
    %swap3A_155 = arith.constant 512 : index
    %swap3A_156 = arith.constant 0 : index
    %swap3A_157 = vector.load %arg7[%swap3A_155, %swap3A_156] : memref<2048x16xf32, #tpu.memory_space<vmem>>, vector<128x16xf32>
    tpu.vector_store %arg7[%swap3A_155, %swap3A_156], %max3A_154 {strides = array<i32>} : memref<2048x16xf32, #tpu.memory_space<vmem>>, vector<128x16xf32>,
    %slice3A_158 = vector.extract_strided_slice %select_n3A_100 {offsets = [640, 0], sizes = [128, 16], strides = [1, 1]} : vector<2048x16xf32> to vector<128x16xf32>
    %slice3A_159 = vector.extract_strided_slice %transpose3A {offsets = [0, 5], sizes = [128, 1], strides = [1, 1]} : vector<128x16xf32> to vector<128x1xf32>
    %mul3A_160 = vector.broadcast %slice3A_159 : vector<128x1xf32> to vector<128x16xf32>
    %mul3A_161 = arith.mulf %slice3A_158, %mul3A_160 : vector<128x16xf32>
    %max3A_162 = arith.constant 0.000000e+00 : f32
    %max3A_163 = vector.broadcast %max3A_162 : f32 to vector<128x16xf32>
    %max3A_164 = arith.maximumf %mul3A_161, %max3A_163 : vector<128x16xf32>
    %swap3A_165 = arith.constant 640 : index
    %swap3A_166 = arith.constant 0 : index
    %swap3A_167 = vector.load %arg7[%swap3A_165, %swap3A_166] : memref<2048x16xf32, #tpu.memory_space<vmem>>, vector<128x16xf32>
    tpu.vector_store %arg7[%swap3A_165, %swap3A_166], %max3A_164 {strides = array<i32>} : memref<2048x16xf32, #tpu.memory_space<vmem>>, vector<128x16xf32>,
    %slice3A_168 = vector.extract_strided_slice %select_n3A_100 {offsets = [768, 0], sizes = [128, 16], strides = [1, 1]} : vector<2048x16xf32> to vector<128x16xf32>
    %slice3A_169 = vector.extract_strided_slice %transpose3A {offsets = [0, 6], sizes = [128, 1], strides = [1, 1]} : vector<128x16xf32> to vector<128x1xf32>
    %mul3A_170 = vector.broadcast %slice3A_169 : vector<128x1xf32> to vector<128x16xf32>
    %mul3A_171 = arith.mulf %slice3A_168, %mul3A_170 : vector<128x16xf32>
    %max3A_172 = arith.constant 0.000000e+00 : f32
    %max3A_173 = vector.broadcast %max3A_172 : f32 to vector<128x16xf32>
    %max3A_174 = arith.maximumf %mul3A_171, %max3A_173 : vector<128x16xf32>
    %swap3A_175 = arith.constant 768 : index
    %swap3A_176 = arith.constant 0 : index
    %swap3A_177 = vector.load %arg7[%swap3A_175, %swap3A_176] : memref<2048x16xf32, #tpu.memory_space<vmem>>, vector<128x16xf32>
    tpu.vector_store %arg7[%swap3A_175, %swap3A_176], %max3A_174 {strides = array<i32>} : memref<2048x16xf32, #tpu.memory_space<vmem>>, vector<128x16xf32>,
    %slice3A_178 = vector.extract_strided_slice %select_n3A_100 {offsets = [896, 0], sizes = [128, 16], strides = [1, 1]} : vector<2048x16xf32> to vector<128x16xf32>
    %slice3A_179 = vector.extract_strided_slice %transpose3A {offsets = [0, 7], sizes = [128, 1], strides = [1, 1]} : vector<128x16xf32> to vector<128x1xf32>
    %mul3A_180 = vector.broadcast %slice3A_179 : vector<128x1xf32> to vector<128x16xf32>
    %mul3A_181 = arith.mulf %slice3A_178, %mul3A_180 : vector<128x16xf32>
    %max3A_182 = arith.constant 0.000000e+00 : f32
    %max3A_183 = vector.broadcast %max3A_182 : f32 to vector<128x16xf32>
    %max3A_184 = arith.maximumf %mul3A_181, %max3A_183 : vector<128x16xf32>
    %swap3A_185 = arith.constant 896 : index
    %swap3A_186 = arith.constant 0 : index
    %swap3A_187 = vector.load %arg7[%swap3A_185, %swap3A_186] : memref<2048x16xf32, #tpu.memory_space<vmem>>, vector<128x16xf32>
    tpu.vector_store %arg7[%swap3A_185, %swap3A_186], %max3A_184 {strides = array<i32>} : memref<2048x16xf32, #tpu.memory_space<vmem>>, vector<128x16xf32>,
    %slice3A_188 = vector.extract_strided_slice %select_n3A_100 {offsets = [1024, 0], sizes = [128, 16], strides = [1, 1]} : vector<2048x16xf32> to vector<128x16xf32>
    %slice3A_189 = vector.extract_strided_slice %transpose3A {offsets = [0, 8], sizes = [128, 1], strides = [1, 1]} : vector<128x16xf32> to vector<128x1xf32>
    %mul3A_190 = vector.broadcast %slice3A_189 : vector<128x1xf32> to vector<128x16xf32>
    %mul3A_191 = arith.mulf %slice3A_188, %mul3A_190 : vector<128x16xf32>
    %max3A_192 = arith.constant 0.000000e+00 : f32
    %max3A_193 = vector.broadcast %max3A_192 : f32 to vector<128x16xf32>
    %max3A_194 = arith.maximumf %mul3A_191, %max3A_193 : vector<128x16xf32>
    %swap3A_195 = arith.constant 1024 : index
    %swap3A_196 = arith.constant 0 : index
    %swap3A_197 = vector.load %arg7[%swap3A_195, %swap3A_196] : memref<2048x16xf32, #tpu.memory_space<vmem>>, vector<128x16xf32>
    tpu.vector_store %arg7[%swap3A_195, %swap3A_196], %max3A_194 {strides = array<i32>} : memref<2048x16xf32, #tpu.memory_space<vmem>>, vector<128x16xf32>,
    %slice3A_198 = vector.extract_strided_slice %select_n3A_100 {offsets = [1152, 0], sizes = [128, 16], strides = [1, 1]} : vector<2048x16xf32> to vector<128x16xf32>
    %slice3A_199 = vector.extract_strided_slice %transpose3A {offsets = [0, 9], sizes = [128, 1], strides = [1, 1]} : vector<128x16xf32> to vector<128x1xf32>
    %mul3A_200 = vector.broadcast %slice3A_199 : vector<128x1xf32> to vector<128x16xf32>
    %mul3A_201 = arith.mulf %slice3A_198, %mul3A_200 : vector<128x16xf32>
    %max3A_202 = arith.constant 0.000000e+00 : f32
    %max3A_203 = vector.broadcast %max3A_202 : f32 to vector<128x16xf32>
    %max3A_204 = arith.maximumf %mul3A_201, %max3A_203 : vector<128x16xf32>
    %swap3A_205 = arith.constant 1152 : index
    %swap3A_206 = arith.constant 0 : index
    %swap3A_207 = vector.load %arg7[%swap3A_205, %swap3A_206] : memref<2048x16xf32, #tpu.memory_space<vmem>>, vector<128x16xf32>
    tpu.vector_store %arg7[%swap3A_205, %swap3A_206], %max3A_204 {strides = array<i32>} : memref<2048x16xf32, #tpu.memory_space<vmem>>, vector<128x16xf32>,
    %slice3A_208 = vector.extract_strided_slice %select_n3A_100 {offsets = [1280, 0], sizes = [128, 16], strides = [1, 1]} : vector<2048x16xf32> to vector<128x16xf32>
    %slice3A_209 = vector.extract_strided_slice %transpose3A {offsets = [0, 10], sizes = [128, 1], strides = [1, 1]} : vector<128x16xf32> to vector<128x1xf32>
    %mul3A_210 = vector.broadcast %slice3A_209 : vector<128x1xf32> to vector<128x16xf32>
    %mul3A_211 = arith.mulf %slice3A_208, %mul3A_210 : vector<128x16xf32>
    %max3A_212 = arith.constant 0.000000e+00 : f32
    %max3A_213 = vector.broadcast %max3A_212 : f32 to vector<128x16xf32>
    %max3A_214 = arith.maximumf %mul3A_211, %max3A_213 : vector<128x16xf32>
    %swap3A_215 = arith.constant 1280 : index
    %swap3A_216 = arith.constant 0 : index
    %swap3A_217 = vector.load %arg7[%swap3A_215, %swap3A_216] : memref<2048x16xf32, #tpu.memory_space<vmem>>, vector<128x16xf32>
    tpu.vector_store %arg7[%swap3A_215, %swap3A_216], %max3A_214 {strides = array<i32>} : memref<2048x16xf32, #tpu.memory_space<vmem>>, vector<128x16xf32>,
    %slice3A_218 = vector.extract_strided_slice %select_n3A_100 {offsets = [1408, 0], sizes = [128, 16], strides = [1, 1]} : vector<2048x16xf32> to vector<128x16xf32>
    %slice3A_219 = vector.extract_strided_slice %transpose3A {offsets = [0, 11], sizes = [128, 1], strides = [1, 1]} : vector<128x16xf32> to vector<128x1xf32>
    %mul3A_220 = vector.broadcast %slice3A_219 : vector<128x1xf32> to vector<128x16xf32>
    %mul3A_221 = arith.mulf %slice3A_218, %mul3A_220 : vector<128x16xf32>
    %max3A_222 = arith.constant 0.000000e+00 : f32
    %max3A_223 = vector.broadcast %max3A_222 : f32 to vector<128x16xf32>
    %max3A_224 = arith.maximumf %mul3A_221, %max3A_223 : vector<128x16xf32>
    %swap3A_225 = arith.constant 1408 : index
    %swap3A_226 = arith.constant 0 : index
    %swap3A_227 = vector.load %arg7[%swap3A_225, %swap3A_226] : memref<2048x16xf32, #tpu.memory_space<vmem>>, vector<128x16xf32>
    tpu.vector_store %arg7[%swap3A_225, %swap3A_226], %max3A_224 {strides = array<i32>} : memref<2048x16xf32, #tpu.memory_space<vmem>>, vector<128x16xf32>,
    %slice3A_228 = vector.extract_strided_slice %select_n3A_100 {offsets = [1536, 0], sizes = [128, 16], strides = [1, 1]} : vector<2048x16xf32> to vector<128x16xf32>
    %slice3A_229 = vector.extract_strided_slice %transpose3A {offsets = [0, 12], sizes = [128, 1], strides = [1, 1]} : vector<128x16xf32> to vector<128x1xf32>
    %mul3A_230 = vector.broadcast %slice3A_229 : vector<128x1xf32> to vector<128x16xf32>
    %mul3A_231 = arith.mulf %slice3A_228, %mul3A_230 : vector<128x16xf32>
    %max3A_232 = arith.constant 0.000000e+00 : f32
    %max3A_233 = vector.broadcast %max3A_232 : f32 to vector<128x16xf32>
    %max3A_234 = arith.maximumf %mul3A_231, %max3A_233 : vector<128x16xf32>
    %swap3A_235 = arith.constant 1536 : index
    %swap3A_236 = arith.constant 0 : index
    %swap3A_237 = vector.load %arg7[%swap3A_235, %swap3A_236] : memref<2048x16xf32, #tpu.memory_space<vmem>>, vector<128x16xf32>
    tpu.vector_store %arg7[%swap3A_235, %swap3A_236], %max3A_234 {strides = array<i32>} : memref<2048x16xf32, #tpu.memory_space<vmem>>, vector<128x16xf32>,
    %slice3A_238 = vector.extract_strided_slice %select_n3A_100 {offsets = [1664, 0], sizes = [128, 16], strides = [1, 1]} : vector<2048x16xf32> to vector<128x16xf32>
    %slice3A_239 = vector.extract_strided_slice %transpose3A {offsets = [0, 13], sizes = [128, 1], strides = [1, 1]} : vector<128x16xf32> to vector<128x1xf32>
    %mul3A_240 = vector.broadcast %slice3A_239 : vector<128x1xf32> to vector<128x16xf32>
    %mul3A_241 = arith.mulf %slice3A_238, %mul3A_240 : vector<128x16xf32>
    %max3A_242 = arith.constant 0.000000e+00 : f32
    %max3A_243 = vector.broadcast %max3A_242 : f32 to vector<128x16xf32>
    %max3A_244 = arith.maximumf %mul3A_241, %max3A_243 : vector<128x16xf32>
    %swap3A_245 = arith.constant 1664 : index
    %swap3A_246 = arith.constant 0 : index
    %swap3A_247 = vector.load %arg7[%swap3A_245, %swap3A_246] : memref<2048x16xf32, #tpu.memory_space<vmem>>, vector<128x16xf32>
    tpu.vector_store %arg7[%swap3A_245, %swap3A_246], %max3A_244 {strides = array<i32>} : memref<2048x16xf32, #tpu.memory_space<vmem>>, vector<128x16xf32>,
    %slice3A_248 = vector.extract_strided_slice %select_n3A_100 {offsets = [1792, 0], sizes = [128, 16], strides = [1, 1]} : vector<2048x16xf32> to vector<128x16xf32>
    %slice3A_249 = vector.extract_strided_slice %transpose3A {offsets = [0, 14], sizes = [128, 1], strides = [1, 1]} : vector<128x16xf32> to vector<128x1xf32>
    %mul3A_250 = vector.broadcast %slice3A_249 : vector<128x1xf32> to vector<128x16xf32>
    %mul3A_251 = arith.mulf %slice3A_248, %mul3A_250 : vector<128x16xf32>
    %max3A_252 = arith.constant 0.000000e+00 : f32
    %max3A_253 = vector.broadcast %max3A_252 : f32 to vector<128x16xf32>
    %max3A_254 = arith.maximumf %mul3A_251, %max3A_253 : vector<128x16xf32>
    %swap3A_255 = arith.constant 1792 : index
    %swap3A_256 = arith.constant 0 : index
    %swap3A_257 = vector.load %arg7[%swap3A_255, %swap3A_256] : memref<2048x16xf32, #tpu.memory_space<vmem>>, vector<128x16xf32>
    tpu.vector_store %arg7[%swap3A_255, %swap3A_256], %max3A_254 {strides = array<i32>} : memref<2048x16xf32, #tpu.memory_space<vmem>>, vector<128x16xf32>,
    %slice3A_258 = vector.extract_strided_slice %select_n3A_100 {offsets = [1920, 0], sizes = [128, 16], strides = [1, 1]} : vector<2048x16xf32> to vector<128x16xf32>
    %slice3A_259 = vector.extract_strided_slice %transpose3A {offsets = [0, 15], sizes = [128, 1], strides = [1, 1]} : vector<128x16xf32> to vector<128x1xf32>
    %mul3A_260 = vector.broadcast %slice3A_259 : vector<128x1xf32> to vector<128x16xf32>
    %mul3A_261 = arith.mulf %slice3A_258, %mul3A_260 : vector<128x16xf32>
    %max3A_262 = arith.constant 0.000000e+00 : f32
    %max3A_263 = vector.broadcast %max3A_262 : f32 to vector<128x16xf32>
    %max3A_264 = arith.maximumf %mul3A_261, %max3A_263 : vector<128x16xf32>
    %swap3A_265 = arith.constant 1920 : index
    %swap3A_266 = arith.constant 0 : index
    %swap3A_267 = vector.load %arg7[%swap3A_265, %swap3A_266] : memref<2048x16xf32, #tpu.memory_space<vmem>>, vector<128x16xf32>
    tpu.vector_store %arg7[%swap3A_265, %swap3A_266], %max3A_264 {strides = array<i32>} : memref<2048x16xf32, #tpu.memory_space<vmem>>, vector<128x16xf32>,
    return
  }
  func.func @transform_0(%arg0: i32) -> (i32, i32) {
    %c0_i32 = arith.constant 0 : i32
    %c0_i32_0 = arith.constant 0 : i32
    return %arg0, %c0_i32 : i32, i32
  }
  func.func @transform_1(%arg0: i32) -> (i32, i32) {
    %add3A = arith.constant 49 : i32
    %add3A_0 = arith.addi %add3A, %arg0 : i32
    %c0_i32 = arith.constant 0 : i32
    %c0_i32_1 = arith.constant 0 : i32
    return %add3A_0, %c0_i32 : i32, i32
  }
  func.func @transform_2(%arg0: i32) -> (i32, i32) {
    %c0_i32 = arith.constant 0 : i32
    %c0_i32_0 = arith.constant 0 : i32
    return %arg0, %c0_i32 : i32, i32
  }
  func.func @transform_3(%arg0: i32) -> (i32, i32) {
    %c0_i32 = arith.constant 0 : i32
    %c0_i32_0 = arith.constant 0 : i32
    return %arg0, %c0_i32 : i32, i32
  }
  func.func @transform_4(%arg0: i32) -> (i32, i32) {
    %add3A = arith.constant 49 : i32
    %add3A_0 = arith.addi %add3A, %arg0 : i32
    %c0_i32 = arith.constant 0 : i32
    %c0_i32_1 = arith.constant 0 : i32
    return %add3A_0, %c0_i32 : i32, i32
  }
  func.func @transform_5(%arg0: i32) -> (i32, i32) {
    %c0_i32 = arith.constant 0 : i32
    %c0_i32_0 = arith.constant 0 : i32
    %c0_i32_1 = arith.constant 0 : i32
    return %c0_i32, %c0_i32_0 : i32, i32
  }
  func.func @transform_6(%arg0: i32) -> (i32, i32) {
    %c0_i32 = arith.constant 0 : i32
    %c0_i32_0 = arith.constant 0 : i32
    return %arg0, %c0_i32 : i32, i32
  }
}

</mosaic_0001>

<sc_bundles>
// kernel: kernel.6.cloned.1.call-start
scs
__scs_entry_jumppad:
0x0: {  	(pc) =	sbr.rel $0x88, $3  }
0x1: {  	(tag) =	ssettag $0x0;
	lr =	simm.s32 $0x1  }
0x2: {  	[smem:$0x3F9D] =	sst lr;
	_ =	strace $0xD0000000  }
0x3: {  	_ = 	snop  }
0x4: {  	_ = 	snop  }
0x5: {  	_ = 	snop  }
0x6: {  	_ = 	snop  }
0x7: {  	_ = 	snop  }
__scs_overlays_trampoline_lowered:
0x8: {  	[smem:$0x3FAC] =	sst s0  }
0x9: {  	[smem:$0x3FAD] =	sst s1  }
0xa: {  	[smem:$0x3FAE] =	sst s2  }
0xb: {  	[smem:$0x3FAF] =	sst s3  }
0xc: {  	[smem:$0x3FB0] =	sst s4  }
0xd: {  	[smem:$0x3FB1] =	sst s5  }
0xe: {  	[smem:$0x3FB2] =	sst s6  }
0xf: {  	[smem:$0x3FB3] =	sst s7  }
0x10: {  	[smem:$0x3FB4] =	sst s8  }
0x11: {  	[smem:$0x3FB5] =	sst s9;
	s0 =	simm.s32 @!p0 $0x0  }
0x12: {  	s1 =	sld [smem:$0x3F9B];
	s0 =	simm.s32 @p0 $0x1  }
0x13: {  	[smem:$0x3FB6] =	sst s0;
	s0 =	simm.s32 @!p1 $0x0  }
0x14: {  	s2 =	sld [smem:$0x3F9A];
	s0 =	simm.s32 @p1 $0x1  }
0x15: {  	[smem:$0x3FB7] =	sst s0;
	s0 =	simm.s32 @!p2 $0x0  }
0x16: {  	s3 =	sld [smem:$0x3FDB];
	s0 =	simm.s32 @p2 $0x1  }
0x17: {  	s4 =	simm.s32 $0x1BF5;
	[smem:$0x3FB9] =	sst s0  }
0x18: {  	s0 =	sld [smem:$0x3F9C];
	_ =	swait.ge [sflag:s4], $0x0  }
0x19: {  	s7 =	sld [smem:$0x3F9D]  }
0x1a: {  	s8 =	sadd.s32 $0xFFFFE003, lr  }
0x1b: {  	s9 =	sadd.s32 $0xFFFFFEF7, lr;
	s5 =	simm.s32 $0xFFFFFFFF;
	p2 =	slt.u32 s8, $0xFFFFF086  }
0x1c: {  	p1 =	slt.u32 s9, $0xF7A;
	s5 =	simm.s32 @!p2 $0x0  }
0x1d: {  	s5 =	simm.s32 @p1 $0x1;
	p0 =	seq.s32 s7, s2  }
0x1e: {  	s7 =	smul.u32 @!p0 $0xF7A, s2;
	p2 =	seq.s32 @!p0 s5, $0x0  }
0x1f: {  	s9 =	smul.u32 $0xF7A, s1;
	s8 =	simm.s32 @!p0 $0x1BF5;
	p2 =	por !p2, p0  }
0x20: {  	[sflag:s8] =	ssyncset.s32 @!p0 $0xFFFFF086;
	s6 =	sadd.s32 @!p0 s3, s7;
	s7 =	simm.s32 @!p0 $0x108  }
0x21: {  	s3 =	sadd.s32 s3, s9;
	s6 =	sadd.s32 @!p0 $0x88, s6;
	s7 =	simm.s32 @p2 $0x1082  }
0x22: {  	[simem:s7], [sflag:s8] =	dma.local @!p0 [hbm:s6], $0xF7A  }
0x23: {  	s9 =	sor.u32 $0xD0000000, s2;
	s6 =	simm.s32 $0x108;
	_ =	swait.ge @!p0 [sflag:s8], $0x0  }
0x24: {  	s3 =	sadd.s32 $0x88, s3;
	s6 =	simm.s32 @!p1 $0x1082;
	[sflag:s4] =	ssyncset.s32 $0xFFFFF086  }
0x25: {  	[simem:s6], [sflag:s4] =	dma.local [hbm:s3], $0xF7A  }
0x26: {  	[smem:$0x3F9D] =	sst s1;
	(tag) =	ssettag s2;
	_ =	strace s9  }
0x27: {  	s1 =	sld [smem:$0x3FAD]  }
0x28: {  	s2 =	sld [smem:$0x3FAE]  }
0x29: {  	s4 =	sld [smem:$0x3FB0]  }
0x2a: {  	p0 =	seq.s32 s5, $0x0;
	s5 =	sld [smem:$0x3FB1]  }
0x2b: {  	s6 =	sld [smem:$0x3FB2]  }
0x2c: {  	s7 =	sld [smem:$0x3FB3]  }
0x2d: {  	s3 =	simm.s32 $0x108;
	s8 =	sld [smem:$0x3FB4]  }
0x2e: {  	s3 =	simm.s32 @!p0 $0x1082;
	s9 =	sld [smem:$0x3FB5]  }
0x2f: {  	lr =	sadd.s32 s0, s3;
	s0 =	sld [smem:$0x3FAC]  }
0x30: {  	s3 =	sld [smem:$0x3FAF]  }
0x31: {  	[smem:$0x3FB8] =	sst s10  }
0x32: {  	s10 =	sld [smem:$0x3FB6];
	_ =	sdelay $0x3  }
0x33: {  	p0 =	seq.s32 s10, $0x1;
	s10 =	sld [smem:$0x3FB8];
	_ =	sdelay $0x3  }
0x34: {  	[smem:$0x3FB8] =	sst s10  }
0x35: {  	s10 =	sld [smem:$0x3FB7];
	_ =	sdelay $0x3  }
0x36: {  	p1 =	seq.s32 s10, $0x1;
	s10 =	sld [smem:$0x3FB8];
	_ =	sdelay $0x3  }
0x37: {  	[smem:$0x3FB8] =	sst s10  }
0x38: {  	s10 =	sld [smem:$0x3FB9]  }
0x39: {  	_ = 	snop;
	(pc) =	sbr.ind lr, $3  }
0x3a: {  	_ = 	snop  }
0x3b: {  	_ = 	snop  }
0x3c: {  	p2 =	seq.s32 s10, $0x1;
	s10 =	sld [smem:$0x3FB8]  }
0x3d: {  	_ =	shalt  }
0x3e: {  	_ =	shalt  }
0x3f: {  	_ =	shalt  }
0x40: {  	_ =	shalt  }
0x41: {  	_ =	shalt  }
0x42: {  	_ =	shalt  }
0x43: {  	_ =	shalt  }
0x44: {  	_ =	shalt  }
0x45: {  	_ =	shalt  }
0x46: {  	_ =	shalt  }
0x47: {  	_ =	shalt  }
0x48: {  	_ =	shalt  }
0x49: {  	_ =	shalt  }
0x4a: {  	_ =	shalt  }
0x4b: {  	_ =	shalt  }
0x4c: {  	_ =	shalt  }
0x4d: {  	_ =	shalt  }
0x4e: {  	_ =	shalt  }
0x4f: {  	_ =	shalt  }
0x50: {  	_ =	shalt  }
0x51: {  	_ =	shalt  }
0x52: {  	_ =	shalt  }
0x53: {  	_ =	shalt  }
0x54: {  	_ =	shalt  }
0x55: {  	_ =	shalt  }
0x56: {  	_ =	shalt  }
0x57: {  	_ =	shalt  }
0x58: {  	_ =	shalt  }
0x59: {  	_ =	shalt  }
0x5a: {  	_ =	shalt  }
0x5b: {  	_ =	shalt  }
0x5c: {  	_ =	shalt  }
0x5d: {  	_ =	shalt  }
0x5e: {  	_ =	shalt  }
0x5f: {  	_ =	shalt  }
0x60: {  	_ =	shalt  }
0x61: {  	_ =	shalt  }
0x62: {  	_ =	shalt  }
0x63: {  	_ =	shalt  }
0x64: {  	_ =	shalt  }
0x65: {  	_ =	shalt  }
0x66: {  	_ =	shalt  }
0x67: {  	_ =	shalt  }
0x68: {  	_ =	shalt  }
0x69: {  	_ =	shalt  }
0x6a: {  	_ =	shalt  }
0x6b: {  	_ =	shalt  }
0x6c: {  	_ =	shalt  }
0x6d: {  	_ =	shalt  }
0x6e: {  	_ =	shalt  }
0x6f: {  	_ =	shalt  }
0x70: {  	_ =	shalt  }
0x71: {  	_ =	shalt  }
0x72: {  	_ =	shalt  }
0x73: {  	_ =	shalt  }
0x74: {  	_ =	shalt  }
0x75: {  	_ =	shalt  }
0x76: {  	_ =	shalt  }
0x77: {  	_ =	shalt  }
0x78: {  	_ =	shalt  }
0x79: {  	_ =	shalt  }
0x7a: {  	_ =	shalt  }
0x7b: {  	_ =	shalt  }
0x7c: {  	_ =	shalt  }
0x7d: {  	_ =	shalt  }
0x7e: {  	_ =	shalt  }
0x7f: {  	_ =	shalt  }
0x80: {  	_ =	shalt  }
0x81: {  	_ =	shalt  }
0x82: {  	_ =	shalt  }
0x83: {  	_ =	shalt  }
0x84: {  	_ =	shalt  }
0x85: {  	_ =	shalt  }
0x86: {  	_ =	shalt  }
0x87: {  	_ =	shalt  }
.Lfunc_end0:
.L_simem_size_0:
called_computation_lowered:
.L_overlay_start_0:
0x88: {  	s2 =	sld [smem:$0x3FD9]  }
0x89: {  	s3 =	sld [smem:$0x3FFE];
	_ =	sdelay $0x1  }
0x8a: {  	s1 =	srdreg.scid  }
0x8b: {  	s0 =	sand.u32 $0x1, s1  }
0x8c: {  	s17 =	sshll.u32 s0, $0xA;
	s2 =	sadd.s32 s3, s2  }
0x8d: {  	s2 =	sadd.s32 s2, s17  }
0x8e: {  	[smem:$0x3FC4] =	sst s2  }
0x8f: {  	_ = 	snop  }
0x90: {  	s2 =	sld [smem:$0x3FD0];
	(tm) =	ssettm $0x1  }
0x91: {  	s18 =	sld [smem:$0x3FFB];
	_ =	sdelay $0x3  }
0x92: {  	_ =	strace s18  }
0x93: {  	s3 =	sld [smem:$0x3FFC];
	_ =	sdelay $0x3  }
0x94: {  	_ =	strace s3  }
0x95: {  	s3 =	sld [smem:$0x3FFD];
	_ =	sdelay $0x3  }
0x96: {  	_ =	strace s3  }
0x97: {  	_ =	strace $0x8FFFFFFF  }
0x98: {  	s19 =	sld [smem:$0x3FDB];
	_ =	sdelay $0x1  }
0x99: {  	s4 =	simm.s32 $_scs_section_size  }
0x9a: {  	s5 =	simm.s32 $_size__tile_overlayer_lowered;
	s6 =	simm.s32 $_tile_overlayer_lowered  }
0x9b: {  	s22 =	simm.s32 $0x1BFF;
	s21 =	sshll.u32 s6, $0x1;
	s3 =	sadd.s32 s4, s19  }
0x9c: {  	s7 =	simm.s32 $0x0;
	s20 =	sshll.u32 s5, $0x1;
	s5 =	sadd.s32 s21, s3  }
0x9d: {  	[timem:s7], [sflag:s22] =	dma.local [hbm:s5], s20  }
0x9e: {  	_ =	swait.ge [sflag:s22], s20  }
0x9f: {  	s4 =	ssub.s32 $0x0, s20;
	[sflag:s22] =	ssyncset.done $0x0  }
0xa0: {  	[sflag:s22] =	ssyncadd.s32 s4;
	_ =	sdelay $0x1  }
0xa1: {  	s23 =	simm.s32 $0x1B8B  }
0xa2: {  	_ =	swait.ge [sflag:s23], $0x1  }
0xa3: {  	[sflag:s23] =	ssyncset.done $0x0  }
0xa4: {  	s25 =	simm.s32 $0x1B8E;
	s24 =	sld [smem:$0x3FFE];
	[sflag:s23] =	ssyncadd.s32 $0xFFFFFFFF  }
0xa5: {  	s26 =	simm.s32 $execute0_lowered;
	[smem:$0x3FD2] =	sst s25  }
0xa6: {  	s5 =	sshll.u32 s26, $0x1;
	_ =	strace $0x80000046;
	[dreg:$0x1] =	wrdreg $0xFFFFFFFF  }
0xa7: {  	s28 =	simm.s32 $_size_execute0_lowered;
	s3 =	sadd.s32 s3, s5;
	[dreg:$0x0] =	wrdreg $0x0  }
0xa8: {  	s5 =	sshll.u32 s28, $0x1;
	[dreg:$0x2] =	wrdreg s3  }
0xa9: {  	[dreg:$0x3] =	wrdreg s5  }
0xaa: {  	[dreg:$0x4] =	wrdreg $0xC0  }
0xab: {  	_ =	task [dreg:s7], $0x5FFFF  }
0xac: {  	[dreg:$0x1] =	wrdreg $0xFFFFFFFF  }
0xad: {  	[dreg:$0x0] =	wrdreg $0x60  }
0xae: {  	[dreg:$0x2] =	wrdreg s24  }
0xaf: {  	[dreg:$0x3] =	wrdreg s2  }
0xb0: {  	[dreg:$0x4] =	wrdreg $0x62C00  }
0xb1: {  	[dreg:$0x5] =	wrdreg $0x9  }
0xb2: {  	_ =	task.clear_ibuf [dreg:s7], $0x6FFFF;
	_ =	strace $0x90000046  }
0xb3: {  	s29 =	simm.s32 $0x9;
	_ =	strace $0x80000048  }
0xb4: {  	_ =	swait.ge [sflag:s29], $0x1  }
0xb5: {  	[sflag:s29] =	ssyncadd.s32 $0xFFFFFFFF  }
0xb6: {  	_ =	strace $0x90000048  }
0xb7: {  	_ =	sfence  }
0xb8: {  	s30 =	sld [smem:$0x0];
	_ =	sdelay $0x2  }
0xb9: {  	s31 =	sshll.u32 s1, $0xD;
	s1 =	sshrl.u32 s1, $0x2  }
0xba: {  	s3 =	sand.u32 $0x4000, s31;
	s1 =	sadd.s32 s1, s30  }
0xbb: {  	s0 =	sor.u32 s3, s0;
	s1 =	sshll.u32 s1, $0x11  }
0xbc: {  	s0 =	sor.u32 s1, s0  }
0xbd: {  	s0 =	sadd.s32 $0x8F2B, s0  }
0xbe: {  	[sflag:s0] =	ssyncadd.remote.s32 $0x1  }
0xbf: {  	_ =	sfence.sel $0xFFFF  }
0xc0: {  	[dreg:$0x0] =	wrdreg $0xFFFFFFFF;
	(pc) =	sbr.abs _section_cstart, $3  }
0xc1: {  	[dreg:$0x1] =	wrdreg $0xFFFFFFFF  }
0xc2: {  	_ =	task.clear_ibuf [dreg:s7], $0x2FFFF;
	_ =	strace $0x9FFFFFFF  }
0xc3: {  	(tm) =	ssettm $0x7FFFFFFF  }
tec
execute0_lowered:
.L_overlay_start_1:
0x0: {  	(tag) =	ssettag $0x1  }
0x1: {  	s4 =	rddreg [dreg:$0x0]  }
0x2: {  	s0 =	srdreg.scid;
	s7 =	rddreg [dreg:$0x1]  }
0x3: {  	s2 =	rddreg [dreg:$0x2];
	s3 =	simm.s32 $0x0;
	s13 =	simm.s32 $0x3  }
0x4: {  	s14 =	simm.s32 $0x1;
	s15 =	simm.s32 $0x18C0;
	s16 =	simm.s32 $0x3180  }
0x5: {  	s17 =	simm.s32 $0x4;
	s5 =	sand.u32 $0x1, s0;
	s0 =	stileid.u32  }
0x6: {  	s18 =	simm.s32 $0x2;
	s19 =	simm.s32 $0x0;
	s8 =	smul.u32 $0x1880, s0  }
0x7: {  	[smem:$0x7FF] =	sst s3;
	s4 =	sadd.s32 $0x1A00, s4;
	s10 =	smul.u32 $0x18800, s5  }
0x8: {  	s1 =	sshll.u32 s5, $0x4;
	s9 =	ssub.s32 $0x2, s5;
	s12 =	smul.u32 $0x18C000, s5  }
0x9: {  	s30 =	smul.u32 $0x18C00, s0;
	s6 =	sor.u32 s0, s1;
	s1 =	rddreg [dreg:$0x3]  }
0xa: {  	_ =	strace $0x80000047;
	s11 =	sshrl.u32 s9, $0x1;
	s6 =	smul.u32 $0x18C00, s6  }
0xb: {  	s9 =	ssub.s32 s9, s11;
	s5 =	sadd.s32 s8, s2;
	s8 =	sadd.s32 s8, s10  }
0xc: {  	s31 =	sadd.s32 s30, s12;
	s12 =	simm.s32 $0x4A40;
	s8 =	sshrl.u32 s8, $0x3  }
0xd: {  	s11 =	sadd.s32 $0x18C0, s31;
	s10 =	sadd.s32 $0x3180, s31;
	s6 =	sshrl.u32 s6, $0x3  }
0xe: {  	s7 =	sadd.s32 s7, s8;
	s11 =	sshrl.u32 s11, $0x3;
	s6 =	sadd.s32 s4, s6  }
0xf: {  	v0 =	vimm.f32 $1.000000000e+00;
	v1 =	vimm.f32 $0.0e+00;
	s8 =	smax.u32 s9, $0x1;
	s11 =	sadd.s32 s11, s4;
	s9 =	sadd.s32 $0x2E68, s6  }
.LBB2_1:
0x10: {  	s20 =	simm.s32 $0x0  }
.LBB2_2:
0x11: {  	p0 =	sne.s32 s20, $0x62C0  }
.Ltmp0:
0x12: {  	_ = 	snop;
	(pc) =	sbr.rel @p0 .LBB2_2-.Ltmp0, $3  }
0x13: {  	_ =	sdelay $0x1  }
0x14: {  	s21 =	sshra.s32 s20, $0x2  }
0x15: {  	s20 =	sadd.s32 $0x40, s20;
	[tilespmem:s21+$0x3180] =	vst v0  }
0x16: {  	s20 =	simm.s32 $0x40;
	s21 =	simm.s32 $0x0  }
.LBB2_4:
0x17: {  	p0 =	sne.s32 s20, $0x61C0;
	[tilespmem:s21+$0x4A40] =	vst v1;
	s21 =	smov.u32 s20;
	s20 =	sadd.s32 $0x40, s20  }
.Ltmp1:
0x18: {  	(pc) =	sbr.rel @p0 .LBB2_4-.Ltmp1, $2  }
0x19: {  	_ =	sdelay $0x2  }
0x1a: {  	s21 =	sshra.s32 s21, $0x2  }
0x1b: {  	[tilespmem:s21+$0x4A40] =	vst v1  }
0x1c: {  	[spmem:s5] =	stream.linear.scatter [tilespmem:s12], [sflag:$0x3], $0x1880, $0x38;
	[tilespmem:$0x7B40] =	vst v63  }
0x1d: {  	_ =	swait.ge [sflag:s13], $0x1880  }
0x1e: {  	[sflag:s13] =	ssyncset.done $0x0  }
0x1f: {  	[sflag:s13] =	ssyncadd.s32 $0xFFFFE780  }
0x20: {  	s20 =	simm.s32 $0x0;
	[bflag:$0x0] =	sbarrier.arrive $0xFFFF  }
0x21: {  	[tilespmem:s20], [sflag:$0x1] =	stream.linear.gather [hbm4b:s6+s20], $0x18C0, $0x38;
	[tilespmem:$0x7B40] =	vst v63  }
0x22: {  	_ =	swait.ge [sflag:s14], $0x18C0  }
0x23: {  	[sflag:s14] =	ssyncset.done $0x0  }
0x24: {  	s30 =	sadd.s32 $0x0, s11;
	[sflag:s14] =	ssyncadd.s32 $0xFFFFE740  }
0x25: {  	[tilespmem:s15], [sflag:$0x2] =	stream.linear.gather [hbm4b:s30+s3], $0x18C0, $0x38;
	[tilespmem:$0x7B40] =	vst v63  }
0x26: {  	_ = 	snop  }
0x27: {  	[spmem:s2] =	stream.indirect.scatter.add.f32 [tilespmem:s16], [sflag:$0x4], $0x1, s3, s15, $0xb8;
	[tilespmem:$0x7B40] =	vst v63  }
0x28: {  	_ =	swait.ge [sflag:s17], $0x18C0  }
0x29: {  	s31 =	sshrl.u32 s10, $0x3;
	[sflag:s17] =	ssyncset.done $0x0  }
0x2a: {  	s20 =	sadd.s32 s4, s31;
	[sflag:s17] =	ssyncadd.s32 $0xFFFFE740  }
0x2b: {  	[tilespmem:s3], [sflag:$0x1] =	stream.linear.gather [hbm4b:s20+s3], $0x18C0, $0x38;
	[tilespmem:$0x7B40] =	vst v63  }
0x2c: {  	_ =	swait.ge [sflag:s18], $0x18C0  }
0x2d: {  	[sflag:s18] =	ssyncset.done $0x0  }
0x2e: {  	[sflag:s18] =	ssyncadd.s32 $0xFFFFE740  }
0x2f: {  	[spmem:s2] =	stream.indirect.scatter.add.f32 [tilespmem:s16], [sflag:$0x3], $0x1, s15, s15, $0xb8;
	[tilespmem:$0x7B40] =	vst v63  }
0x30: {  	_ =	swait.ge [sflag:s13], $0x18C0  }
0x31: {  	s21 =	smov.u32 s10;
	s20 =	simm.s32 $0x630;
	[sflag:s13] =	ssyncset.done $0x0  }
.LBB2_6:
0x32: {  	p0 =	sne.s32 s20, $0x2520;
	[sflag:s13] =	ssyncadd.s32 $0xFFFFE740;
	s21 =	sadd.s32 $0x3180, s21  }
0x33: {  	s22 =	smov.u32 s20;
	s20 =	sadd.s32 $0x630, s20;
	_ =	swait.ge [sflag:s14], $0x18C0  }
0x34: {  	[sflag:s14] =	ssyncset.done $0x0  }
0x35: {  	s22 =	sadd.s32 s22, s11;
	[sflag:s14] =	ssyncadd.s32 $0xFFFFE740  }
0x36: {  	[tilespmem:s15], [sflag:$0x2] =	stream.linear.gather [hbm4b:s22+s3], $0x18C0, $0x38;
	[tilespmem:$0x7B40] =	vst v63  }
0x37: {  	_ = 	snop  }
0x38: {  	[spmem:s2] =	stream.indirect.scatter.add.f32 [tilespmem:s16], [sflag:$0x4], $0x1, s3, s15, $0xb8;
	[tilespmem:$0x7B40] =	vst v63  }
0x39: {  	_ =	swait.ge [sflag:s17], $0x18C0  }
0x3a: {  	s22 =	sshrl.u32 s21, $0x3;
	[sflag:s17] =	ssyncset.done $0x0  }
0x3b: {  	s22 =	sadd.s32 s4, s22;
	[sflag:s17] =	ssyncadd.s32 $0xFFFFE740  }
0x3c: {  	[tilespmem:s3], [sflag:$0x1] =	stream.linear.gather [hbm4b:s22+s3], $0x18C0, $0x38;
	[tilespmem:$0x7B40] =	vst v63  }
0x3d: {  	_ =	swait.ge [sflag:s18], $0x18C0  }
.Ltmp2:
0x3e: {  	[sflag:s18] =	ssyncset.done $0x0;
	(pc) =	sbr.rel @p0 .LBB2_6-.Ltmp2, $4  }
0x3f: {  	[sflag:s18] =	ssyncadd.s32 $0xFFFFE740  }
0x40: {  	[spmem:s2] =	stream.indirect.scatter.add.f32 [tilespmem:s16], [sflag:$0x3], $0x1, s15, s15, $0xb8;
	[tilespmem:$0x7B40] =	vst v63  }
0x41: {  	_ =	swait.ge [sflag:s13], $0x18C0  }
0x42: {  	[sflag:s13] =	ssyncset.done $0x0  }
0x43: {  	[sflag:s13] =	ssyncadd.s32 $0xFFFFE740  }
0x44: {  	_ =	swait.ge [sflag:s14], $0x18C0  }
0x45: {  	[sflag:s14] =	ssyncset.done $0x0  }
0x46: {  	[sflag:s14] =	ssyncadd.s32 $0xFFFFE740  }
0x47: {  	[tilespmem:s15], [sflag:$0x2] =	stream.linear.gather [hbm4b:s9+s3], $0x18C0, $0x38;
	[tilespmem:$0x7B40] =	vst v63  }
0x48: {  	_ = 	snop  }
0x49: {  	[spmem:s2] =	stream.indirect.scatter.add.f32 [tilespmem:s16], [sflag:$0x4], $0x1, s3, s15, $0xb8;
	[tilespmem:$0x7B40] =	vst v63  }
0x4a: {  	_ =	swait.ge [sflag:s17], $0x18C0  }
0x4b: {  	[sflag:s17] =	ssyncset.done $0x0  }
0x4c: {  	[sflag:s17] =	ssyncadd.s32 $0xFFFFE740  }
0x4d: {  	_ =	swait.ge [sflag:s18], $0x18C0  }
0x4e: {  	[sflag:s18] =	ssyncset.done $0x0  }
0x4f: {  	[sflag:s18] =	ssyncadd.s32 $0xFFFFE740  }
0x50: {  	[spmem:s2] =	stream.indirect.scatter.add.f32 [tilespmem:s16], [sflag:$0x3], $0x1, s15, s15, $0xb8;
	[tilespmem:$0x7B40] =	vst v63  }
0x51: {  	_ =	swait.ge [sflag:s13], $0x18C0  }
0x52: {  	[sflag:s13] =	ssyncset.done $0x0  }
0x53: {  	[sflag:s13] =	ssyncadd.s32 $0xFFFFE740  }
0x54: {  	[bflag:$0x0] =	sbarrier.arrive $0xFFFF  }
0x55: {  	[tilespmem:s12], [sflag:$0x3] =	stream.linear.gather [spmem:s5], $0x1880, $0x38;
	[tilespmem:$0x7B40] =	vst v63  }
0x56: {  	s19 =	sadd.s32 $0x1, s19;
	_ =	swait.ge [sflag:s13], $0x1880  }
0x57: {  	p0 =	sne.s32 s19, s8;
	[sflag:s13] =	ssyncset.done $0x0  }
.Ltmp3:
0x58: {  	[sflag:s13] =	ssyncadd.s32 $0xFFFFE780;
	(pc) =	sbr.rel @p0 .LBB2_1-.Ltmp3, $4  }
0x59: {  	[hbm4b:s7+s3] =	stream.linear.scatter [tilespmem:s12], [sflag:$0x3], $0x1880, $0x38;
	[tilespmem:$0x7B40] =	vst v63  }
0x5a: {  	_ =	swait.ge [sflag:s13], $0x1880  }
0x5b: {  	[sflag:s13] =	ssyncset.done $0x0  }
0x5c: {  	[sflag:s13] =	ssyncadd.s32 $0xFFFFE780  }
0x5d: {  	_ =	sfence.sel $0x180000  }
0x5e: {  	[bflag:$0x0] =	sbarrier.arrive $0xFFFF  }
0x5f: {  	p0 =	sne.s32 s0, $0x0;
	_ =	strace $0x90000047  }
0x60: {  	s0 =	sadd.s32 @!p0 $0x100000, s1;
	[bflag:$0x2] =	sbarrier.arrive $0xFFFF  }
0x61: {  	[sflag:s0] =	ssyncadd.tile.s32 @!p0 $0x1;
	_ =	shalt  }
.Lfunc_end2:
_tile_overlayer_lowered:
.L_overlay_start_2:
0x62: {  	(tag) =	ssettag $0x2  }
0x63: {  	s0 =	rddreg [dreg:$0x0];
	s2 =	stileid.u32  }
0x64: {  	s1 =	rddreg [dreg:$0x1];
	p0 =	sne.s32 s2, $0x0  }
0x65: {  	s3 =	rddreg [dreg:$0x2];
	[bflag:$0x3] =	sbarrier.arrive $0xFFFF;
	s2 =	simm.s32 @!p0 $0x1C03  }
0x66: {  	[timem:s3], [sflag:s2] =	dma.local @!p0 [hbm:s0], s1  }
0x67: {  	s0 =	simm.s32 @!p0 $0x3  }
0x68: {  	_ =	swait.ge @!p0 [sflag:s0], s1  }
0x69: {  	s1 =	ssub.s32 @!p0 $0x0, s1;
	[sflag:s0] =	ssyncset.done @!p0 $0x0  }
0x6a: {  	[sflag:s0] =	ssyncadd.s32 @!p0 s1  }
0x6b: {  	[bflag:$0x3] =	sbarrier.arrive $0xFFFF  }
0x6c: {  	_ =	shalt  }

// kernel: kernel.9.cloned.1.call-start
scs
__scs_entry_jumppad:
0x0: {  	(pc) =	sbr.rel $0x88, $3  }
0x1: {  	(tag) =	ssettag $0x0;
	lr =	simm.s32 $0x1  }
0x2: {  	[smem:$0x3F9D] =	sst lr;
	_ =	strace $0xD0000000  }
0x3: {  	_ = 	snop  }
0x4: {  	_ = 	snop  }
0x5: {  	_ = 	snop  }
0x6: {  	_ = 	snop  }
0x7: {  	_ = 	snop  }
__scs_overlays_trampoline_lowered:
0x8: {  	[smem:$0x3FAC] =	sst s0  }
0x9: {  	[smem:$0x3FAD] =	sst s1  }
0xa: {  	[smem:$0x3FAE] =	sst s2  }
0xb: {  	[smem:$0x3FAF] =	sst s3  }
0xc: {  	[smem:$0x3FB0] =	sst s4  }
0xd: {  	[smem:$0x3FB1] =	sst s5  }
0xe: {  	[smem:$0x3FB2] =	sst s6  }
0xf: {  	[smem:$0x3FB3] =	sst s7  }
0x10: {  	[smem:$0x3FB4] =	sst s8  }
0x11: {  	[smem:$0x3FB5] =	sst s9;
	s0 =	simm.s32 @!p0 $0x0  }
0x12: {  	s1 =	sld [smem:$0x3F9B];
	s0 =	simm.s32 @p0 $0x1  }
0x13: {  	[smem:$0x3FB6] =	sst s0;
	s0 =	simm.s32 @!p1 $0x0  }
0x14: {  	s2 =	sld [smem:$0x3F9A];
	s0 =	simm.s32 @p1 $0x1  }
0x15: {  	[smem:$0x3FB7] =	sst s0;
	s0 =	simm.s32 @!p2 $0x0  }
0x16: {  	s3 =	sld [smem:$0x3FDB];
	s0 =	simm.s32 @p2 $0x1  }
0x17: {  	s4 =	simm.s32 $0x1BF5;
	[smem:$0x3FB9] =	sst s0  }
0x18: {  	s0 =	sld [smem:$0x3F9C];
	_ =	swait.ge [sflag:s4], $0x0  }
0x19: {  	s7 =	sld [smem:$0x3F9D]  }
0x1a: {  	s8 =	sadd.s32 $0xFFFFE003, lr  }
0x1b: {  	s9 =	sadd.s32 $0xFFFFFEF7, lr;
	s5 =	simm.s32 $0xFFFFFFFF;
	p2 =	slt.u32 s8, $0xFFFFF086  }
0x1c: {  	p1 =	slt.u32 s9, $0xF7A;
	s5 =	simm.s32 @!p2 $0x0  }
0x1d: {  	s5 =	simm.s32 @p1 $0x1;
	p0 =	seq.s32 s7, s2  }
0x1e: {  	s7 =	smul.u32 @!p0 $0xF7A, s2;
	p2 =	seq.s32 @!p0 s5, $0x0  }
0x1f: {  	s9 =	smul.u32 $0xF7A, s1;
	s8 =	simm.s32 @!p0 $0x1BF5;
	p2 =	por !p2, p0  }
0x20: {  	[sflag:s8] =	ssyncset.s32 @!p0 $0xFFFFF086;
	s6 =	sadd.s32 @!p0 s3, s7;
	s7 =	simm.s32 @!p0 $0x108  }
0x21: {  	s3 =	sadd.s32 s3, s9;
	s6 =	sadd.s32 @!p0 $0x88, s6;
	s7 =	simm.s32 @p2 $0x1082  }
0x22: {  	[simem:s7], [sflag:s8] =	dma.local @!p0 [hbm:s6], $0xF7A  }
0x23: {  	s9 =	sor.u32 $0xD0000000, s2;
	s6 =	simm.s32 $0x108;
	_ =	swait.ge @!p0 [sflag:s8], $0x0  }
0x24: {  	s3 =	sadd.s32 $0x88, s3;
	s6 =	simm.s32 @!p1 $0x1082;
	[sflag:s4] =	ssyncset.s32 $0xFFFFF086  }
0x25: {  	[simem:s6], [sflag:s4] =	dma.local [hbm:s3], $0xF7A  }
0x26: {  	[smem:$0x3F9D] =	sst s1;
	(tag) =	ssettag s2;
	_ =	strace s9  }
0x27: {  	s1 =	sld [smem:$0x3FAD]  }
0x28: {  	s2 =	sld [smem:$0x3FAE]  }
0x29: {  	s4 =	sld [smem:$0x3FB0]  }
0x2a: {  	p0 =	seq.s32 s5, $0x0;
	s5 =	sld [smem:$0x3FB1]  }
0x2b: {  	s6 =	sld [smem:$0x3FB2]  }
0x2c: {  	s7 =	sld [smem:$0x3FB3]  }
0x2d: {  	s3 =	simm.s32 $0x108;
	s8 =	sld [smem:$0x3FB4]  }
0x2e: {  	s3 =	simm.s32 @!p0 $0x1082;
	s9 =	sld [smem:$0x3FB5]  }
0x2f: {  	lr =	sadd.s32 s0, s3;
	s0 =	sld [smem:$0x3FAC]  }
0x30: {  	s3 =	sld [smem:$0x3FAF]  }
0x31: {  	[smem:$0x3FB8] =	sst s10  }
0x32: {  	s10 =	sld [smem:$0x3FB6];
	_ =	sdelay $0x3  }
0x33: {  	p0 =	seq.s32 s10, $0x1;
	s10 =	sld [smem:$0x3FB8];
	_ =	sdelay $0x3  }
0x34: {  	[smem:$0x3FB8] =	sst s10  }
0x35: {  	s10 =	sld [smem:$0x3FB7];
	_ =	sdelay $0x3  }
0x36: {  	p1 =	seq.s32 s10, $0x1;
	s10 =	sld [smem:$0x3FB8];
	_ =	sdelay $0x3  }
0x37: {  	[smem:$0x3FB8] =	sst s10  }
0x38: {  	s10 =	sld [smem:$0x3FB9]  }
0x39: {  	_ = 	snop;
	(pc) =	sbr.ind lr, $3  }
0x3a: {  	_ = 	snop  }
0x3b: {  	_ = 	snop  }
0x3c: {  	p2 =	seq.s32 s10, $0x1;
	s10 =	sld [smem:$0x3FB8]  }
0x3d: {  	_ =	shalt  }
0x3e: {  	_ =	shalt  }
0x3f: {  	_ =	shalt  }
0x40: {  	_ =	shalt  }
0x41: {  	_ =	shalt  }
0x42: {  	_ =	shalt  }
0x43: {  	_ =	shalt  }
0x44: {  	_ =	shalt  }
0x45: {  	_ =	shalt  }
0x46: {  	_ =	shalt  }
0x47: {  	_ =	shalt  }
0x48: {  	_ =	shalt  }
0x49: {  	_ =	shalt  }
0x4a: {  	_ =	shalt  }
0x4b: {  	_ =	shalt  }
0x4c: {  	_ =	shalt  }
0x4d: {  	_ =	shalt  }
0x4e: {  	_ =	shalt  }
0x4f: {  	_ =	shalt  }
0x50: {  	_ =	shalt  }
0x51: {  	_ =	shalt  }
0x52: {  	_ =	shalt  }
0x53: {  	_ =	shalt  }
0x54: {  	_ =	shalt  }
0x55: {  	_ =	shalt  }
0x56: {  	_ =	shalt  }
0x57: {  	_ =	shalt  }
0x58: {  	_ =	shalt  }
0x59: {  	_ =	shalt  }
0x5a: {  	_ =	shalt  }
0x5b: {  	_ =	shalt  }
0x5c: {  	_ =	shalt  }
0x5d: {  	_ =	shalt  }
0x5e: {  	_ =	shalt  }
0x5f: {  	_ =	shalt  }
0x60: {  	_ =	shalt  }
0x61: {  	_ =	shalt  }
0x62: {  	_ =	shalt  }
0x63: {  	_ =	shalt  }
0x64: {  	_ =	shalt  }
0x65: {  	_ =	shalt  }
0x66: {  	_ =	shalt  }
0x67: {  	_ =	shalt  }
0x68: {  	_ =	shalt  }
0x69: {  	_ =	shalt  }
0x6a: {  	_ =	shalt  }
0x6b: {  	_ =	shalt  }
0x6c: {  	_ =	shalt  }
0x6d: {  	_ =	shalt  }
0x6e: {  	_ =	shalt  }
0x6f: {  	_ =	shalt  }
0x70: {  	_ =	shalt  }
0x71: {  	_ =	shalt  }
0x72: {  	_ =	shalt  }
0x73: {  	_ =	shalt  }
0x74: {  	_ =	shalt  }
0x75: {  	_ =	shalt  }
0x76: {  	_ =	shalt  }
0x77: {  	_ =	shalt  }
0x78: {  	_ =	shalt  }
0x79: {  	_ =	shalt  }
0x7a: {  	_ =	shalt  }
0x7b: {  	_ =	shalt  }
0x7c: {  	_ =	shalt  }
0x7d: {  	_ =	shalt  }
0x7e: {  	_ =	shalt  }
0x7f: {  	_ =	shalt  }
0x80: {  	_ =	shalt  }
0x81: {  	_ =	shalt  }
0x82: {  	_ =	shalt  }
0x83: {  	_ =	shalt  }
0x84: {  	_ =	shalt  }
0x85: {  	_ =	shalt  }
0x86: {  	_ =	shalt  }
0x87: {  	_ =	shalt  }
.Lfunc_end0:
.L_simem_size_0:
called_computation.1_lowered:
.L_overlay_start_0:
0x88: {  	s2 =	sld [smem:$0x3FD9]  }
0x89: {  	s3 =	sld [smem:$0x3FFE];
	_ =	sdelay $0x1  }
0x8a: {  	s1 =	srdreg.scid  }
0x8b: {  	s0 =	sand.u32 $0x1, s1  }
0x8c: {  	s16 =	sshll.u32 s0, $0xA;
	s2 =	sadd.s32 s3, s2  }
0x8d: {  	s2 =	sadd.s32 s2, s16  }
0x8e: {  	[smem:$0x3FC4] =	sst s2  }
0x8f: {  	_ = 	snop  }
0x90: {  	(tm) =	ssettm $0x1  }
0x91: {  	s17 =	sld [smem:$0x3FFB];
	_ =	sdelay $0x3  }
0x92: {  	_ =	strace s17  }
0x93: {  	s2 =	sld [smem:$0x3FFC];
	_ =	sdelay $0x3  }
0x94: {  	_ =	strace s2  }
0x95: {  	s2 =	sld [smem:$0x3FFD];
	_ =	sdelay $0x3  }
0x96: {  	_ =	strace s2  }
0x97: {  	_ =	strace $0x8FFFFFFF  }
0x98: {  	s18 =	sld [smem:$0x3FDB];
	_ =	sdelay $0x1  }
0x99: {  	s19 =	simm.s32 $_scs_section_size  }
0x9a: {  	s4 =	simm.s32 $_size__tile_overlayer_lowered;
	s5 =	simm.s32 $_tile_overlayer_lowered  }
0x9b: {  	s22 =	simm.s32 $0x1BFF;
	s21 =	sshll.u32 s5, $0x1;
	s2 =	sadd.s32 s19, s18  }
0x9c: {  	s6 =	simm.s32 $0x0;
	s20 =	sshll.u32 s4, $0x1;
	s4 =	sadd.s32 s21, s2  }
0x9d: {  	[timem:s6], [sflag:s22] =	dma.local [hbm:s4], s20  }
0x9e: {  	_ =	swait.ge [sflag:s22], s20  }
0x9f: {  	s3 =	ssub.s32 $0x0, s20;
	[sflag:s22] =	ssyncset.done $0x0  }
0xa0: {  	[sflag:s22] =	ssyncadd.s32 s3;
	_ =	sdelay $0x1  }
0xa1: {  	s23 =	simm.s32 $0x1B8B  }
0xa2: {  	_ =	swait.ge [sflag:s23], $0x1  }
0xa3: {  	[sflag:s23] =	ssyncset.done $0x0  }
0xa4: {  	s25 =	simm.s32 $0x1B8E;
	s24 =	sld [smem:$0x3FFE];
	[sflag:s23] =	ssyncadd.s32 $0xFFFFFFFF  }
0xa5: {  	s26 =	simm.s32 $execute0_lowered;
	[smem:$0x3FD2] =	sst s25  }
0xa6: {  	s4 =	sshll.u32 s26, $0x1;
	_ =	strace $0x80000049;
	[dreg:$0x1] =	wrdreg $0xFFFFFFFF  }
0xa7: {  	s28 =	simm.s32 $_size_execute0_lowered;
	s2 =	sadd.s32 s2, s4;
	[dreg:$0x0] =	wrdreg $0x0  }
0xa8: {  	s4 =	sshll.u32 s28, $0x1;
	[dreg:$0x2] =	wrdreg s2  }
0xa9: {  	[dreg:$0x3] =	wrdreg s4  }
0xaa: {  	[dreg:$0x4] =	wrdreg $0xC0  }
0xab: {  	_ =	task [dreg:s6], $0x5FFFF  }
0xac: {  	[dreg:$0x1] =	wrdreg $0xFFFFFFFF  }
0xad: {  	[dreg:$0x0] =	wrdreg $0x60  }
0xae: {  	[dreg:$0x2] =	wrdreg s24  }
0xaf: {  	[dreg:$0x3] =	wrdreg $0x78000  }
0xb0: {  	[dreg:$0x4] =	wrdreg $0x9  }
0xb1: {  	_ =	task.clear_ibuf [dreg:s6], $0x5FFFF;
	_ =	strace $0x90000049  }
0xb2: {  	s29 =	simm.s32 $0x9;
	_ =	strace $0x8000004B  }
0xb3: {  	_ =	swait.ge [sflag:s29], $0x1  }
0xb4: {  	[sflag:s29] =	ssyncadd.s32 $0xFFFFFFFF  }
0xb5: {  	_ =	strace $0x9000004B  }
0xb6: {  	_ =	sfence  }
0xb7: {  	s30 =	sld [smem:$0x0];
	_ =	sdelay $0x2  }
0xb8: {  	s31 =	sshll.u32 s1, $0xD;
	s1 =	sshrl.u32 s1, $0x2  }
0xb9: {  	s3 =	sand.u32 $0x4000, s31;
	s1 =	sadd.s32 s1, s30  }
0xba: {  	s0 =	sor.u32 s3, s0;
	s1 =	sshll.u32 s1, $0x11  }
0xbb: {  	s0 =	sor.u32 s1, s0  }
0xbc: {  	s0 =	sadd.s32 $0x8F2B, s0  }
0xbd: {  	[sflag:s0] =	ssyncadd.remote.s32 $0x1  }
0xbe: {  	_ =	sfence.sel $0xFFFF  }
0xbf: {  	[dreg:$0x0] =	wrdreg $0xFFFFFFFF;
	(pc) =	sbr.abs _section_cstart, $3  }
0xc0: {  	[dreg:$0x1] =	wrdreg $0xFFFFFFFF  }
0xc1: {  	_ =	task.clear_ibuf [dreg:s6], $0x2FFFF;
	_ =	strace $0x9FFFFFFF  }
0xc2: {  	(tm) =	ssettm $0x7FFFFFFF  }
0xc3: {  	_ =	shalt  }
tec
execute0_lowered:
.L_overlay_start_1:
0x0: {  	(tag) =	ssettag $0x1  }
0x1: {  	s0 =	rddreg [dreg:$0x0]  }
0x2: {  	s1 =	rddreg [dreg:$0x1];
	s2 =	srdreg.scid  }
0x3: {  	s3 =	simm.s32 $0x0;
	s11 =	stileid.u32;
	s2 =	sand.u32 $0x1, s2  }
0x4: {  	[smem:$0x7FF] =	sst s3;
	s24 =	smul.u32 $0x3100, s11;
	s4 =	sshll.u32 s2, $0x4  }
0x5: {  	s7 =	smul.u32 $0x31000, s2;
	s2 =	ssub.s32 $0x2, s2;
	s5 =	sor.u32 s11, s4  }
0x6: {  	s6 =	sadd.s32 $0x1A00, s0;
	s10 =	sshrl.u32 s2, $0x1;
	s8 =	smul.u32 $0x18C00, s5  }
0x7: {  	s26 =	smul.u32 $0x62000, s11;
	_ =	strace $0x8000004A;
	s2 =	ssub.s32 s2, s10  }
0x8: {  	s5 =	sadd.s32 $0x64A00, s0;
	s2 =	smax.u32 s2, $0x1;
	s9 =	sshrl.u32 s8, $0x3  }
0x9: {  	s4 =	sadd.s32 $0xC7A00, s0;
	[dreg:$0x11] =	wrdreg s2;
	s12 =	sadd.s32 s5, s9  }
0xa: {  	s13 =	sor.u32 $0x40, s9;
	s10 =	sadd.s32 s6, s9;
	[dreg:$0x3] =	wrdreg s12  }
0xb: {  	s0 =	sadd.s32 s7, s0;
	[dreg:$0x4] =	wrdreg s10;
	s14 =	sadd.s32 s5, s13  }
0xc: {  	s15 =	sadd.s32 $0x80, s9;
	s7 =	sadd.s32 s6, s13;
	[dreg:$0x5] =	wrdreg s14  }
0xd: {  	s22 =	sadd.s32 $0xA00, s8;
	s16 =	sadd.s32 s5, s15;
	[dreg:$0x6] =	wrdreg s7  }
0xe: {  	s17 =	sadd.s32 $0xC0, s9;
	s18 =	sadd.s32 s6, s15;
	[dreg:$0x7] =	wrdreg s16  }
0xf: {  	s23 =	sshrl.u32 s22, $0x3;
	s19 =	sadd.s32 s5, s17;
	[dreg:$0x8] =	wrdreg s18  }
0x10: {  	s0 =	sadd.s32 s24, s0;
	s25 =	sadd.s32 s5, s23;
	[dreg:$0x9] =	wrdreg s19  }
0x11: {  	s24 =	sadd.s32 $0xC00, s8;
	s9 =	sadd.s32 s6, s23;
	[dreg:$0xd] =	wrdreg s25  }
0x12: {  	s30 =	sadd.s32 $0xE00, s8;
	s7 =	sadd.s32 s6, s17;
	[dreg:$0xe] =	wrdreg s9  }
0x13: {  	s14 =	sadd.s32 $0x800, s8;
	s9 =	sadd.s32 $0x1000, s8;
	[dreg:$0xa] =	wrdreg s7  }
0x14: {  	s8 =	sadd.s32 $0x1200, s8;
	s20 =	sshrl.u32 s14, $0x3;
	[dreg:$0xf] =	wrdreg s9  }
0x15: {  	[dreg:$0x10] =	wrdreg s8;
	s7 =	sadd.s32 s6, s20  }
0x16: {  	s21 =	sadd.s32 s5, s20;
	[dreg:$0xc] =	wrdreg s7;
	s7 =	sshrl.u32 s26, $0x2  }
0x17: {  	[dreg:$0xb] =	wrdreg s21;
	s16 =	sadd.s32 s7, s1  }
0x18: {  	s10 =	sadd.s32 $0x1C00, s16;
	[dreg:$0x12] =	wrdreg s16  }
0x19: {  	s11 =	sadd.s32 $0x3800, s16;
	[dreg:$0x13] =	wrdreg s10  }
0x1a: {  	s12 =	sadd.s32 $0x5400, s16;
	[dreg:$0x14] =	wrdreg s11  }
0x1b: {  	s13 =	sadd.s32 $0x7000, s16;
	[dreg:$0x15] =	wrdreg s12  }
0x1c: {  	s15 =	sadd.s32 $0x8C00, s16;
	[dreg:$0x16] =	wrdreg s13  }
0x1d: {  	s17 =	sadd.s32 $0xA800, s16;
	[dreg:$0x17] =	wrdreg s15  }
0x1e: {  	s18 =	sadd.s32 $0xC400, s16;
	[dreg:$0x18] =	wrdreg s17  }
0x1f: {  	s19 =	sadd.s32 $0xE000, s16;
	[dreg:$0x19] =	wrdreg s18  }
0x20: {  	s20 =	sadd.s32 $0xFC00, s16;
	[dreg:$0x1a] =	wrdreg s19  }
0x21: {  	s21 =	sadd.s32 $0x11800, s16;
	[dreg:$0x1b] =	wrdreg s20  }
0x22: {  	s29 =	simm.s32 $0x9;
	s23 =	sadd.s32 $0x13400, s16;
	[dreg:$0x1c] =	wrdreg s21  }
0x23: {  	s31 =	simm.s32 $0x5;
	s25 =	sadd.s32 $0x15000, s16;
	[dreg:$0x1d] =	wrdreg s23  }
0x24: {  	s28 =	sadd.s32 $0xF8A00, s0;
	s26 =	sadd.s32 $0x16C00, s16;
	[dreg:$0x1e] =	wrdreg s25  }
0x25: {  	s2 =	simm.s32 $0x6;
	s1 =	simm.s32 $0x0;
	[dreg:$0x1f] =	wrdreg s26  }
0x26: {  	s17 =	simm.s32 $0x1800;
	s18 =	simm.s32 $0xD;
	s21 =	simm.s32 $0xC00  }
0x27: {  	s20 =	simm.s32 $0x200;
	s23 =	simm.s32 $0xE00;
	s11 =	simm.s32 $0x2  }
0x28: {  	s13 =	simm.s32 $0x7;
	s15 =	simm.s32 $0x3;
	s26 =	simm.s32 $0x8  }
0x29: {  	v0 =	vimm.f32 $0.0e+00;
	s19 =	simm.s32 $0xA;
	s25 =	simm.s32 $0x4;
	s10 =	simm.s32 $0x3800  }
.LBB2_1:
0x2a: {  	[smem:$0x7FD] =	sst s1;
	s7 =	simm.s32 $0x40;
	s8 =	simm.s32 $0x0  }
.LBB2_2:
0x2b: {  	p0 =	sne.s32 s7, $0x6FC0;
	[tilespmem:s8+$0x1800] =	vst v0;
	s8 =	smov.u32 s7;
	s7 =	sadd.s32 $0x40, s7  }
.Ltmp0:
0x2c: {  	(pc) =	sbr.rel @p0 .LBB2_2-.Ltmp0, $2  }
0x2d: {  	_ =	sdelay $0x2  }
0x2e: {  	s8 =	sshra.s32 s8, $0x2  }
0x2f: {  	[tilespmem:s8+$0x1800] =	vst v0  }
0x30: {  	[spmem:s16] =	stream.linear.scatter [tilespmem:s17], [sflag:$0xD], $0x1C00, $0x38;
	v63 =	vld [tilespmem:$0x0]  }
0x31: {  	_ =	swait.ge [sflag:s18], $0x1C00  }
0x32: {  	[sflag:s18] =	ssyncset.done $0x0  }
0x33: {  	s0 =	rddreg [dreg:$0x13];
	[sflag:s18] =	ssyncadd.s32 $0xFFFFE400  }
0x34: {  	[spmem:s0] =	stream.linear.scatter [tilespmem:s17], [sflag:$0xD], $0x1C00, $0x38;
	v63 =	vld [tilespmem:$0x0]  }
0x35: {  	_ =	swait.ge [sflag:s18], $0x1C00  }
0x36: {  	[sflag:s18] =	ssyncset.done $0x0  }
0x37: {  	s1 =	rddreg [dreg:$0x14];
	[sflag:s18] =	ssyncadd.s32 $0xFFFFE400  }
0x38: {  	[spmem:s1] =	stream.linear.scatter [tilespmem:s17], [sflag:$0xD], $0x1C00, $0x38;
	v63 =	vld [tilespmem:$0x0]  }
0x39: {  	_ =	swait.ge [sflag:s18], $0x1C00  }
0x3a: {  	[sflag:s18] =	ssyncset.done $0x0  }
0x3b: {  	s7 =	rddreg [dreg:$0x15];
	[sflag:s18] =	ssyncadd.s32 $0xFFFFE400  }
0x3c: {  	[spmem:s7] =	stream.linear.scatter [tilespmem:s17], [sflag:$0xD], $0x1C00, $0x38;
	v63 =	vld [tilespmem:$0x0]  }
0x3d: {  	_ =	swait.ge [sflag:s18], $0x1C00  }
0x3e: {  	[sflag:s18] =	ssyncset.done $0x0  }
0x3f: {  	s8 =	rddreg [dreg:$0x16];
	[sflag:s18] =	ssyncadd.s32 $0xFFFFE400  }
0x40: {  	[spmem:s8] =	stream.linear.scatter [tilespmem:s17], [sflag:$0xD], $0x1C00, $0x38;
	v63 =	vld [tilespmem:$0x0]  }
0x41: {  	_ =	swait.ge [sflag:s18], $0x1C00  }
0x42: {  	[sflag:s18] =	ssyncset.done $0x0  }
0x43: {  	s9 =	rddreg [dreg:$0x17];
	[sflag:s18] =	ssyncadd.s32 $0xFFFFE400  }
0x44: {  	[spmem:s9] =	stream.linear.scatter [tilespmem:s17], [sflag:$0xD], $0x1C00, $0x38;
	v63 =	vld [tilespmem:$0x0]  }
0x45: {  	_ =	swait.ge [sflag:s18], $0x1C00  }
0x46: {  	[sflag:s18] =	ssyncset.done $0x0  }
0x47: {  	s12 =	rddreg [dreg:$0x18];
	[sflag:s18] =	ssyncadd.s32 $0xFFFFE400  }
0x48: {  	[spmem:s12] =	stream.linear.scatter [tilespmem:s17], [sflag:$0xD], $0x1C00, $0x38;
	v63 =	vld [tilespmem:$0x0]  }
0x49: {  	_ =	swait.ge [sflag:s18], $0x1C00  }
0x4a: {  	[sflag:s18] =	ssyncset.done $0x0  }
0x4b: {  	s16 =	rddreg [dreg:$0x19];
	[sflag:s18] =	ssyncadd.s32 $0xFFFFE400  }
0x4c: {  	[spmem:s16] =	stream.linear.scatter [tilespmem:s17], [sflag:$0xD], $0x1C00, $0x38;
	v63 =	vld [tilespmem:$0x0]  }
0x4d: {  	_ =	swait.ge [sflag:s18], $0x1C00  }
0x4e: {  	[sflag:s18] =	ssyncset.done $0x0  }
0x4f: {  	s1 =	rddreg [dreg:$0x1a];
	[sflag:s18] =	ssyncadd.s32 $0xFFFFE400  }
0x50: {  	[spmem:s1] =	stream.linear.scatter [tilespmem:s17], [sflag:$0xD], $0x1C00, $0x38;
	v63 =	vld [tilespmem:$0x0]  }
0x51: {  	_ =	swait.ge [sflag:s18], $0x1C00  }
0x52: {  	[sflag:s18] =	ssyncset.done $0x0  }
0x53: {  	s7 =	rddreg [dreg:$0x1b];
	[sflag:s18] =	ssyncadd.s32 $0xFFFFE400  }
0x54: {  	[spmem:s7] =	stream.linear.scatter [tilespmem:s17], [sflag:$0xD], $0x1C00, $0x38;
	v63 =	vld [tilespmem:$0x0]  }
0x55: {  	_ =	swait.ge [sflag:s18], $0x1C00  }
0x56: {  	[sflag:s18] =	ssyncset.done $0x0  }
0x57: {  	s8 =	rddreg [dreg:$0x1c];
	[sflag:s18] =	ssyncadd.s32 $0xFFFFE400  }
0x58: {  	[spmem:s8] =	stream.linear.scatter [tilespmem:s17], [sflag:$0xD], $0x1C00, $0x38;
	v63 =	vld [tilespmem:$0x0]  }
0x59: {  	_ =	swait.ge [sflag:s18], $0x1C00  }
0x5a: {  	[sflag:s18] =	ssyncset.done $0x0  }
0x5b: {  	s9 =	rddreg [dreg:$0x1d];
	[sflag:s18] =	ssyncadd.s32 $0xFFFFE400  }
0x5c: {  	[spmem:s9] =	stream.linear.scatter [tilespmem:s17], [sflag:$0xD], $0x1C00, $0x38;
	v63 =	vld [tilespmem:$0x0]  }
0x5d: {  	_ =	swait.ge [sflag:s18], $0x1C00  }
0x5e: {  	[sflag:s18] =	ssyncset.done $0x0  }
0x5f: {  	s12 =	rddreg [dreg:$0x1e];
	[sflag:s18] =	ssyncadd.s32 $0xFFFFE400  }
0x60: {  	[spmem:s12] =	stream.linear.scatter [tilespmem:s17], [sflag:$0xD], $0x1C00, $0x38;
	v63 =	vld [tilespmem:$0x0]  }
0x61: {  	_ =	swait.ge [sflag:s18], $0x1C00  }
0x62: {  	[sflag:s18] =	ssyncset.done $0x0  }
0x63: {  	s16 =	rddreg [dreg:$0x1f];
	[sflag:s18] =	ssyncadd.s32 $0xFFFFE400  }
0x64: {  	[spmem:s16] =	stream.linear.scatter [tilespmem:s17], [sflag:$0xD], $0x1C00, $0x38;
	v63 =	vld [tilespmem:$0x0]  }
0x65: {  	_ =	swait.ge [sflag:s18], $0x1C00  }
0x66: {  	[sflag:s18] =	ssyncset.done $0x0  }
0x67: {  	[sflag:s18] =	ssyncadd.s32 $0xFFFFE400  }
0x68: {  	[bflag:$0x0] =	sbarrier.arrive $0xFFFF  }
0x69: {  	s7 =	simm.s32 $0x0;
	s1 =	rddreg [dreg:$0x3]  }
0x6a: {  	[tilespmem:s7], [sflag:$0x1] =	stream.linear.gather [hbm4b:s1+s7], $0x200, $0x38;
	v63 =	vld [tilespmem:$0x0]  }
0x6b: {  	s9 =	rddreg [dreg:$0x4]  }
0x6c: {  	[tilespmem:s21], [sflag:$0x1] =	stream.linear.gather [hbm4b:s9+s7], $0x200, $0x38;
	v63 =	vld [tilespmem:$0x0]  }
0x6d: {  	s12 =	rddreg [dreg:$0x5]  }
0x6e: {  	[tilespmem:s20], [sflag:$0x2] =	stream.linear.gather [hbm4b:s12+s7], $0x200, $0x38;
	v63 =	vld [tilespmem:$0x0]  }
0x6f: {  	s16 =	rddreg [dreg:$0x6]  }
0x70: {  	[tilespmem:s23], [sflag:$0x2] =	stream.linear.gather [hbm4b:s16+s7], $0x200, $0x38;
	v63 =	vld [tilespmem:$0x0]  }
0x71: {  	s0 =	simm.s32 $0x400;
	s21 =	rddreg [dreg:$0x7]  }
0x72: {  	[tilespmem:s0], [sflag:$0x3] =	stream.linear.gather [hbm4b:s21+s7], $0x200, $0x38;
	v63 =	vld [tilespmem:$0x0]  }
0x73: {  	s1 =	simm.s32 $0x1000;
	s23 =	rddreg [dreg:$0x8]  }
0x74: {  	[tilespmem:s1], [sflag:$0x3] =	stream.linear.gather [hbm4b:s23+s7], $0x200, $0x38;
	v63 =	vld [tilespmem:$0x0]  }
0x75: {  	s9 =	simm.s32 $0x600;
	s1 =	rddreg [dreg:$0x9]  }
0x76: {  	[tilespmem:s9], [sflag:$0x4] =	stream.linear.gather [hbm4b:s1+s7], $0x200, $0x38;
	v63 =	vld [tilespmem:$0x0]  }
0x77: {  	s12 =	rddreg [dreg:$0xa];
	s16 =	simm.s32 $0x1200  }
0x78: {  	[tilespmem:s16], [sflag:$0x4] =	stream.linear.gather [hbm4b:s12+s7], $0x200, $0x38;
	v63 =	vld [tilespmem:$0x0]  }
0x79: {  	s21 =	rddreg [dreg:$0xb];
	s23 =	simm.s32 $0x800  }
0x7a: {  	[tilespmem:s23], [sflag:$0x5] =	stream.linear.gather [hbm4b:s21+s7], $0x200, $0x38;
	v63 =	vld [tilespmem:$0x0]  }
0x7b: {  	s1 =	rddreg [dreg:$0xc];
	s9 =	simm.s32 $0x1400  }
0x7c: {  	[tilespmem:s9], [sflag:$0x5] =	stream.linear.gather [hbm4b:s1+s7], $0x200, $0x38;
	v63 =	vld [tilespmem:$0x0]  }
0x7d: {  	s12 =	rddreg [dreg:$0xd];
	s16 =	simm.s32 $0xA00  }
0x7e: {  	[tilespmem:s16], [sflag:$0x6] =	stream.linear.gather [hbm4b:s12+s7], $0x200, $0x38;
	v63 =	vld [tilespmem:$0x0]  }
0x7f: {  	s21 =	rddreg [dreg:$0xe];
	s23 =	simm.s32 $0x1;
	s9 =	simm.s32 $0x1600  }
0x80: {  	[tilespmem:s9], [sflag:$0x6] =	stream.linear.gather [hbm4b:s21+s7], $0x200, $0x38;
	v63 =	vld [tilespmem:$0x0]  }
0x81: {  	_ =	swait.ge [sflag:s23], $0x200  }
0x82: {  	[sflag:s23] =	ssyncset.done $0x0  }
0x83: {  	[sflag:s23] =	ssyncadd.s32 $0xFFFFFE00  }
0x84: {  	_ =	swait.ge [sflag:s23], $0x200  }
0x85: {  	[sflag:s23] =	ssyncset.done $0x0  }
0x86: {  	[sflag:s23] =	ssyncadd.s32 $0xFFFFFE00  }
0x87: {  	[tilespmem:s17], [sflag:$0x7] =	stream.indirect.gather [hbm4b:s4+s20], $0x10, s7, s20, $0xb8;
	v63 =	vld [tilespmem:$0x0]  }
0x88: {  	s1 =	simm.s32 $0x5800;
	s12 =	rddreg [dreg:$0x1]  }
.LBB2_4:
0x89: {  	p0 =	seq.s32 s7, $0x0  }
0x8a: {  	s8 =	simm.s32 @!p0 $0xB;
	s9 =	smul.u32 @!p0 $0xC00, s7  }
0x8b: {  	_ =	swait.ge @!p0 [sflag:s8], $0x2000  }
0x8c: {  	s23 =	smov.u32 s14;
	[sflag:s8] =	ssyncset.done @!p0 $0x0;
	s14 =	sadd.s32 @!p0 s9, s14  }
0x8d: {  	[sflag:s8] =	ssyncadd.s32 @!p0 $0xFFFFE000;
	s8 =	sshrl.u32 @!p0 s14, $0x3  }
0x8e: {  	s16 =	simm.s32 @!p0 $0x0;
	s21 =	simm.s32 @!p0 $0x800;
	s14 =	sadd.s32 @!p0 s5, s8  }
0x8f: {  	[tilespmem:s21], [sflag:$0x5] =	stream.linear.gather @!p0 [hbm4b:s14+s16], $0x200, $0x38;
	v63 =	vld [tilespmem:$0x0]  }
0x90: {  	s8 =	sadd.s32 @!p0 s6, s8;
	s14 =	simm.s32 @!p0 $0x1400  }
0x91: {  	[tilespmem:s14], [sflag:$0x5] =	stream.linear.gather @!p0 [hbm4b:s8+s16], $0x200, $0x38;
	v63 =	vld [tilespmem:$0x0]  }
0x92: {  	_ =	swait.ge [sflag:s11], $0x200  }
0x93: {  	[sflag:s11] =	ssyncset.done $0x0  }
0x94: {  	[sflag:s11] =	ssyncadd.s32 $0xFFFFFE00  }
0x95: {  	_ =	swait.ge [sflag:s11], $0x200  }
0x96: {  	[sflag:s11] =	ssyncset.done $0x0  }
0x97: {  	[sflag:s11] =	ssyncadd.s32 $0xFFFFFE00  }
0x98: {  	[tilespmem:s10], [sflag:$0x8] =	stream.indirect.gather [hbm4b:s4+s20], $0x10, s20, s20, $0xb8;
	v63 =	vld [tilespmem:$0x0]  }
0x99: {  	_ =	swait.ge [sflag:s13], $0x2000  }
0x9a: {  	[sflag:s13] =	ssyncset.done $0x0  }
0x9b: {  	s21 =	simm.s32 $0xC00;
	s8 =	simm.s32 @!p0 $0xC;
	[sflag:s13] =	ssyncadd.s32 $0xFFFFE000  }
0x9c: {  	[spmem:s12] =	stream.indirect.scatter.add.f32 [tilespmem:s17], [sflag:$0xA], $0x10, s21, s20, $0xb8;
	v63 =	vld [tilespmem:$0x0]  }
0x9d: {  	s9 =	sadd.s32 @!p0 s9, s22;
	_ =	swait.ge @!p0 [sflag:s8], $0x2000  }
0x9e: {  	s9 =	sshrl.u32 @!p0 s9, $0x3;
	[sflag:s8] =	ssyncset.done @!p0 $0x0  }
0x9f: {  	s14 =	simm.s32 @!p0 $0xA00;
	[sflag:s8] =	ssyncadd.s32 @!p0 $0xFFFFE000;
	s8 =	sadd.s32 @!p0 s5, s9  }
0xa0: {  	[tilespmem:s14], [sflag:$0x6] =	stream.linear.gather @!p0 [hbm4b:s8+s16], $0x200, $0x38;
	v63 =	vld [tilespmem:$0x0]  }
0xa1: {  	s8 =	sadd.s32 @!p0 s6, s9;
	s9 =	simm.s32 @!p0 $0x1600  }
0xa2: {  	[tilespmem:s9], [sflag:$0x6] =	stream.linear.gather @!p0 [hbm4b:s8+s16], $0x200, $0x38;
	v63 =	vld [tilespmem:$0x0]  }
0xa3: {  	_ =	swait.ge [sflag:s15], $0x200  }
0xa4: {  	[sflag:s15] =	ssyncset.done $0x0  }
0xa5: {  	[sflag:s15] =	ssyncadd.s32 $0xFFFFFE00  }
0xa6: {  	_ =	swait.ge [sflag:s15], $0x200  }
0xa7: {  	[sflag:s15] =	ssyncset.done $0x0  }
0xa8: {  	[sflag:s15] =	ssyncadd.s32 $0xFFFFFE00  }
0xa9: {  	[tilespmem:s1], [sflag:$0x9] =	stream.indirect.gather [hbm4b:s4+s20], $0x10, s0, s20, $0xb8;
	v63 =	vld [tilespmem:$0x0]  }
0xaa: {  	_ =	swait.ge [sflag:s26], $0x2000  }
0xab: {  	p0 =	seq.s32 s7, $0x20;
	[sflag:s26] =	ssyncset.done $0x0  }
0xac: {  	s8 =	simm.s32 $0xE00;
	s9 =	smul.u32 @!p0 $0xC00, s7;
	[sflag:s26] =	ssyncadd.s32 $0xFFFFE000  }
0xad: {  	[spmem:s12] =	stream.indirect.scatter.add.f32 [tilespmem:s10], [sflag:$0xB], $0x10, s8, s20, $0xb8;
	v63 =	vld [tilespmem:$0x0]  }
0xae: {  	s8 =	sadd.s32 @!p0 s9, s24;
	_ =	swait.ge [sflag:s19], $0x2000  }
0xaf: {  	s14 =	sshrl.u32 @!p0 s8, $0x3;
	[sflag:s19] =	ssyncset.done $0x0  }
0xb0: {  	s8 =	simm.s32 @!p0 $0x0;
	s16 =	sadd.s32 @!p0 s5, s14;
	[sflag:s19] =	ssyncadd.s32 $0xFFFFE000  }
0xb1: {  	[tilespmem:s8], [sflag:$0x1] =	stream.linear.gather @!p0 [hbm4b:s16+s8], $0x200, $0x38;
	v63 =	vld [tilespmem:$0x0]  }
0xb2: {  	s14 =	sadd.s32 @!p0 s6, s14;
	s16 =	simm.s32 @!p0 $0xC00  }
0xb3: {  	[tilespmem:s16], [sflag:$0x1] =	stream.linear.gather @!p0 [hbm4b:s14+s8], $0x200, $0x38;
	v63 =	vld [tilespmem:$0x0]  }
0xb4: {  	_ =	swait.ge [sflag:s25], $0x200  }
0xb5: {  	[sflag:s25] =	ssyncset.done $0x0  }
0xb6: {  	[sflag:s25] =	ssyncadd.s32 $0xFFFFFE00  }
0xb7: {  	_ =	swait.ge [sflag:s25], $0x200  }
0xb8: {  	[sflag:s25] =	ssyncset.done $0x0  }
0xb9: {  	s14 =	simm.s32 $0x600;
	[sflag:s25] =	ssyncadd.s32 $0xFFFFFE00  }
0xba: {  	[tilespmem:s17], [sflag:$0x7] =	stream.indirect.gather [hbm4b:s4+s20], $0x10, s14, s20, $0xb8;
	v63 =	vld [tilespmem:$0x0]  }
0xbb: {  	_ =	swait.ge [sflag:s29], $0x2000  }
0xbc: {  	[sflag:s29] =	ssyncset.done $0x0  }
0xbd: {  	s21 =	simm.s32 $0xB;
	s16 =	simm.s32 $0x1000;
	[sflag:s29] =	ssyncadd.s32 $0xFFFFE000  }
0xbe: {  	[spmem:s12] =	stream.indirect.scatter.add.f32 [tilespmem:s1], [sflag:$0xC], $0x10, s16, s20, $0xb8;
	v63 =	vld [tilespmem:$0x0]  }
0xbf: {  	s14 =	sadd.s32 @!p0 s9, s30;
	_ =	swait.ge [sflag:s21], $0x2000  }
0xc0: {  	s14 =	sshrl.u32 @!p0 s14, $0x3;
	[sflag:s21] =	ssyncset.done $0x0  }
0xc1: {  	s16 =	sadd.s32 @!p0 s5, s14;
	[sflag:s21] =	ssyncadd.s32 $0xFFFFE000;
	s21 =	simm.s32 @!p0 $0x200  }
0xc2: {  	[tilespmem:s21], [sflag:$0x2] =	stream.linear.gather @!p0 [hbm4b:s16+s8], $0x200, $0x38;
	v63 =	vld [tilespmem:$0x0]  }
0xc3: {  	s14 =	sadd.s32 @!p0 s6, s14;
	s16 =	simm.s32 @!p0 $0xE00  }
0xc4: {  	[tilespmem:s16], [sflag:$0x2] =	stream.linear.gather @!p0 [hbm4b:s14+s8], $0x200, $0x38;
	v63 =	vld [tilespmem:$0x0]  }
0xc5: {  	_ =	swait.ge [sflag:s31], $0x200  }
0xc6: {  	[sflag:s31] =	ssyncset.done $0x0  }
0xc7: {  	[sflag:s31] =	ssyncadd.s32 $0xFFFFFE00  }
0xc8: {  	_ =	swait.ge [sflag:s31], $0x200  }
0xc9: {  	[sflag:s31] =	ssyncset.done $0x0  }
0xca: {  	s16 =	simm.s32 $0x800;
	[sflag:s31] =	ssyncadd.s32 $0xFFFFFE00  }
0xcb: {  	[tilespmem:s10], [sflag:$0x8] =	stream.indirect.gather [hbm4b:s4+s20], $0x10, s16, s20, $0xb8;
	v63 =	vld [tilespmem:$0x0]  }
0xcc: {  	_ =	swait.ge [sflag:s13], $0x2000  }
0xcd: {  	[sflag:s13] =	ssyncset.done $0x0  }
0xce: {  	s14 =	simm.s32 $0x1200;
	s16 =	simm.s32 $0xC;
	[sflag:s13] =	ssyncadd.s32 $0xFFFFE000  }
0xcf: {  	[spmem:s12] =	stream.indirect.scatter.add.f32 [tilespmem:s17], [sflag:$0xA], $0x10, s14, s20, $0xb8;
	v63 =	vld [tilespmem:$0x0]  }
0xd0: {  	_ =	swait.ge [sflag:s16], $0x2000  }
0xd1: {  	s14 =	rddreg [dreg:$0xf]  }
0xd2: {  	s0 =	smov.u32 s30;
	s30 =	smov.u32 s24;
	s14 =	sadd.s32 @!p0 s9, s14  }
0xd3: {  	s24 =	smov.u32 s22;
	[sflag:s16] =	ssyncset.done $0x0;
	s14 =	sshrl.u32 @!p0 s14, $0x3  }
0xd4: {  	s22 =	simm.s32 @!p0 $0x400;
	[sflag:s16] =	ssyncadd.s32 $0xFFFFE000;
	s16 =	sadd.s32 @!p0 s5, s14  }
0xd5: {  	[tilespmem:s22], [sflag:$0x3] =	stream.linear.gather @!p0 [hbm4b:s16+s8], $0x200, $0x38;
	v63 =	vld [tilespmem:$0x0]  }
0xd6: {  	s14 =	sadd.s32 @!p0 s6, s14;
	s16 =	simm.s32 @!p0 $0x1000  }
0xd7: {  	[tilespmem:s16], [sflag:$0x3] =	stream.linear.gather @!p0 [hbm4b:s14+s8], $0x200, $0x38;
	v63 =	vld [tilespmem:$0x0]  }
0xd8: {  	_ =	swait.ge [sflag:s2], $0x200  }
0xd9: {  	[sflag:s2] =	ssyncset.done $0x0  }
0xda: {  	[sflag:s2] =	ssyncadd.s32 $0xFFFFFE00  }
0xdb: {  	_ =	swait.ge [sflag:s2], $0x200  }
0xdc: {  	[sflag:s2] =	ssyncset.done $0x0  }
0xdd: {  	s16 =	simm.s32 $0xA00;
	[sflag:s2] =	ssyncadd.s32 $0xFFFFFE00  }
0xde: {  	[tilespmem:s1], [sflag:$0x9] =	stream.indirect.gather [hbm4b:s4+s20], $0x10, s16, s20, $0xb8;
	v63 =	vld [tilespmem:$0x0]  }
0xdf: {  	_ =	swait.ge [sflag:s26], $0x2000  }
0xe0: {  	[sflag:s26] =	ssyncset.done $0x0  }
0xe1: {  	s16 =	simm.s32 $0x1400;
	[sflag:s26] =	ssyncadd.s32 $0xFFFFE000  }
0xe2: {  	[spmem:s12] =	stream.indirect.scatter.add.f32 [tilespmem:s10], [sflag:$0xB], $0x10, s16, s20, $0xb8;
	v63 =	vld [tilespmem:$0x0]  }
0xe3: {  	_ =	swait.ge [sflag:s19], $0x2000  }
0xe4: {  	s14 =	rddreg [dreg:$0x10]  }
0xe5: {  	s9 =	sadd.s32 @!p0 s9, s14  }
0xe6: {  	[sflag:s19] =	ssyncset.done $0x0;
	s9 =	sshrl.u32 @!p0 s9, $0x3  }
0xe7: {  	s16 =	simm.s32 @!p0 $0x600;
	[sflag:s19] =	ssyncadd.s32 $0xFFFFE000;
	s14 =	sadd.s32 @!p0 s5, s9  }
0xe8: {  	[tilespmem:s16], [sflag:$0x4] =	stream.linear.gather @!p0 [hbm4b:s14+s8], $0x200, $0x38;
	v63 =	vld [tilespmem:$0x0]  }
0xe9: {  	s9 =	sadd.s32 @!p0 s6, s9;
	s14 =	simm.s32 @!p0 $0x1200  }
0xea: {  	[tilespmem:s14], [sflag:$0x4] =	stream.linear.gather @!p0 [hbm4b:s9+s8], $0x200, $0x38;
	v63 =	vld [tilespmem:$0x0]  }
0xeb: {  	s9 =	simm.s32 @!p0 $0x1  }
0xec: {  	_ =	swait.ge @!p0 [sflag:s9], $0x200  }
0xed: {  	[sflag:s9] =	ssyncset.done @!p0 $0x0  }
0xee: {  	[sflag:s9] =	ssyncadd.s32 @!p0 $0xFFFFFE00  }
0xef: {  	_ =	swait.ge @!p0 [sflag:s9], $0x200  }
0xf0: {  	s7 =	sadd.s32 @!p0 $0x1, s7;
	[sflag:s9] =	ssyncset.done @!p0 $0x0  }
0xf1: {  	s7 =	simm.s32 @p0 $0x21;
	[sflag:s9] =	ssyncadd.s32 @!p0 $0xFFFFFE00;
	s9 =	simm.s32 @!p0 $0x1800  }
0xf2: {  	[tilespmem:s9], [sflag:$0x7] =	stream.indirect.gather @!p0 [hbm4b:s4+s21], $0x10, s8, s21, $0xb8;
	v63 =	vld [tilespmem:$0x0]  }
0xf3: {  	p0 =	slt.u32 s7, $0x21  }
.Ltmp1:
0xf4: {  	_ = 	snop;
	(pc) =	sbr.rel @p0 .LBB2_4-.Ltmp1, $4  }
0xf5: {  	s22 =	smov.u32 s24;
	s24 =	smov.u32 s30;
	_ =	swait.ge [sflag:s29], $0x2000  }
0xf6: {  	s30 =	smov.u32 s0;
	s0 =	simm.s32 $0x400;
	[sflag:s29] =	ssyncset.done $0x0  }
0xf7: {  	s14 =	smov.u32 s23;
	s23 =	simm.s32 $0x1600;
	[sflag:s29] =	ssyncadd.s32 $0xFFFFE000  }
0xf8: {  	[spmem:s12] =	stream.indirect.scatter.add.f32 [tilespmem:s1], [sflag:$0xC], $0x10, s23, s20, $0xb8;
	v63 =	vld [tilespmem:$0x0]  }
0xf9: {  	s0 =	simm.s32 $0xB  }
0xfa: {  	_ =	swait.ge [sflag:s0], $0x2000  }
0xfb: {  	[sflag:s0] =	ssyncset.done $0x0  }
0xfc: {  	s23 =	simm.s32 $0xC;
	[sflag:s0] =	ssyncadd.s32 $0xFFFFE000  }
0xfd: {  	_ =	swait.ge [sflag:s23], $0x2000  }
0xfe: {  	[sflag:s23] =	ssyncset.done $0x0  }
0xff: {  	[sflag:s23] =	ssyncadd.s32 $0xFFFFE000  }
0x100: {  	[bflag:$0x0] =	sbarrier.arrive $0xFFFF  }
0x101: {  	s16 =	rddreg [dreg:$0x12]  }
0x102: {  	[tilespmem:s17], [sflag:$0xD] =	stream.linear.gather [spmem:s16], $0x1C00, $0x38;
	v63 =	vld [tilespmem:$0x0]  }
0x103: {  	_ =	swait.ge [sflag:s18], $0x1C00  }
0x104: {  	[sflag:s18] =	ssyncset.done $0x0  }
0x105: {  	s7 =	sadd.s32 $0x0, s28;
	[sflag:s18] =	ssyncadd.s32 $0xFFFFE400  }
0x106: {  	[hbm4b:s7+s3] =	stream.linear.scatter [tilespmem:s17], [sflag:$0xD], $0x1C00, $0x38;
	v63 =	vld [tilespmem:$0x0]  }
0x107: {  	_ =	swait.ge [sflag:s18], $0x1C00  }
0x108: {  	s8 =	smov.u32 s16;
	s7 =	simm.s32 $0x380;
	[sflag:s18] =	ssyncset.done $0x0  }
.LBB2_6:
0x109: {  	p0 =	sne.s32 s7, $0x2D80;
	[sflag:s18] =	ssyncadd.s32 $0xFFFFE400;
	s8 =	sadd.s32 $0x1C00, s8  }
0x10a: {  	[tilespmem:s17], [sflag:$0xD] =	stream.linear.gather [spmem:s8], $0x1C00, $0x38;
	v63 =	vld [tilespmem:$0x0]  }
0x10b: {  	s9 =	smov.u32 s7;
	s7 =	sadd.s32 $0x380, s7;
	_ =	swait.ge [sflag:s18], $0x1C00  }
.Ltmp2:
0x10c: {  	[sflag:s18] =	ssyncset.done $0x0;
	(pc) =	sbr.rel @p0 .LBB2_6-.Ltmp2, $4  }
0x10d: {  	s9 =	sadd.s32 s9, s28;
	[sflag:s18] =	ssyncadd.s32 $0xFFFFE400  }
0x10e: {  	[hbm4b:s9+s3] =	stream.linear.scatter [tilespmem:s17], [sflag:$0xD], $0x1C00, $0x38;
	v63 =	vld [tilespmem:$0x0]  }
0x10f: {  	_ =	swait.ge [sflag:s18], $0x1C00  }
0x110: {  	[sflag:s18] =	ssyncset.done $0x0  }
0x111: {  	s1 =	sld [smem:$0x7FD];
	_ =	sdelay $0x2  }
0x112: {  	s0 =	rddreg [dreg:$0x11];
	s1 =	sadd.s32 $0x1, s1  }
0x113: {  	p0 =	sne.s32 s1, s0  }
.Ltmp3:
0x114: {  	_ = 	snop;
	(pc) =	sbr.rel @p0 .LBB2_1-.Ltmp3, $2  }
0x115: {  	_ =	sdelay $0x2  }
0x116: {  	[sflag:s18] =	ssyncadd.s32 $0xFFFFE400;
	s21 =	simm.s32 $0xC00;
	s23 =	simm.s32 $0xE00  }
0x117: {  	_ =	sfence.sel $0x180000  }
0x118: {  	[bflag:$0x0] =	sbarrier.arrive $0xFFFF  }
0x119: {  	_ =	strace $0x9000004A  }
0x11a: {  	s0 =	stileid.u32;
	[bflag:$0x2] =	sbarrier.arrive $0xFFFF  }
0x11b: {  	p0 =	sne.s32 s0, $0x0;
	s0 =	rddreg [dreg:$0x2]  }
0x11c: {  	s0 =	sadd.s32 @!p0 $0x100000, s0  }
0x11d: {  	[sflag:s0] =	ssyncadd.tile.s32 @!p0 $0x1;
	_ =	shalt  }
.Lfunc_end2:
_tile_overlayer_lowered:
.L_overlay_start_2:
0x11e: {  	(tag) =	ssettag $0x2  }
0x11f: {  	s0 =	rddreg [dreg:$0x0];
	s2 =	stileid.u32  }
0x120: {  	s1 =	rddreg [dreg:$0x1];
	p0 =	sne.s32 s2, $0x0  }
0x121: {  	s3 =	rddreg [dreg:$0x2];
	[bflag:$0x3] =	sbarrier.arrive $0xFFFF;
	s2 =	simm.s32 @!p0 $0x1C0D  }
0x122: {  	[timem:s3], [sflag:s2] =	dma.local @!p0 [hbm:s0], s1  }
0x123: {  	s0 =	simm.s32 @!p0 $0xD  }
0x124: {  	_ =	swait.ge @!p0 [sflag:s0], s1  }
0x125: {  	s1 =	ssub.s32 @!p0 $0x0, s1;
	[sflag:s0] =	ssyncset.done @!p0 $0x0  }
0x126: {  	[sflag:s0] =	ssyncadd.s32 @!p0 s1  }
0x127: {  	[bflag:$0x3] =	sbarrier.arrive $0xFFFF  }
0x128: {  	_ =	shalt  }

</sc_bundles>
